<compile_context>
chip_gen: v7x
topology: tpu7x:2x2x1
jax: 0.10.2.dev20260603
libtpu: 0.0.44.dev20260713+nightly
codegen_flags: <defaults>
</compile_context>

<pallas_src>
import functools

import jax
import jax.numpy as jnp
import numpy as np
from jax import lax
from jax.experimental import pallas as pl
from jax.experimental.pallas import tpu as pltpu
from jax.experimental.pallas import tpu_sc as plsc

_NC = 2
_NS = 16
_NW = _NC * _NS
_L = 16


def kernel(x_cat, tables):
    B, F = x_cat.shape
    _, V, D = tables.shape
    total = B * F
    C = 128
    n_rows = total // C
    rows_w = n_rows // _NW
    pat_rows = 13
    wide = 128
    rpw = wide // D

    tab128 = tables.reshape(-1, wide)
    idx2d = x_cat.astype(jnp.int32).reshape(n_rows, C)
    pat_np = (np.arange(pat_rows * C).reshape(pat_rows, C) % F) * (V // rpw)
    phi = jnp.asarray(pat_np.astype(np.int32))

    mesh = plsc.VectorSubcoreMesh(core_axis_name="c", subcore_axis_name="s")

    @functools.partial(
        pl.kernel,
        mesh=mesh,
        out_type=jax.ShapeDtypeStruct((total * D // wide, wide), jnp.float32),
        compiler_params=pltpu.CompilerParams(needs_layout_passes=False),
        scratch_types=[
            pltpu.VMEM((rows_w, C), jnp.int32),
            pltpu.VMEM((rows_w, C), jnp.int32),
            pltpu.VMEM((pat_rows, C), jnp.int32),
            pltpu.VMEM((C, wide), jnp.float32),
            pltpu.VMEM((D, wide), jnp.float32),
            pltpu.SemaphoreType.DMA,
        ],
    )
    def emb(tab_hbm, idx_hbm, phi_hbm, out_hbm, hi_v, lo_v, phi_v, s_v, o_v, sem):
        wid = lax.axis_index("s") * _NC + lax.axis_index("c")
        row0 = wid * rows_w

        pltpu.sync_copy(idx_hbm.at[pl.ds(row0, rows_w)], hi_v)
        pltpu.sync_copy(phi_hbm, phi_v)

        def prep(r, carry):
            pr = lax.rem(r, pat_rows)
            for v in range(C // _L):
                sl = pl.ds(v * _L, _L)
                raw = hi_v[r, sl]
                lo_v[r, sl] = lax.bitwise_and(raw, 7)
                hi_v[r, sl] = lax.shift_right_logical(raw, 3) + phi_v[pr, sl]
            return carry

        lax.fori_loop(0, rows_w, prep, None)

        iota = lax.iota(jnp.int32, _L)

        def chunk(r, carry):
            pltpu.async_copy(tab_hbm.at[hi_v.at[r]], s_v, sem).wait()
            for g in range(C // _L):
                rows = g * _L + iota
                colb = lo_v[r, pl.ds(g * _L, _L)] * D
                orow = 2 * g + lax.shift_right_logical(iota, 3)
                ocol0 = lax.bitwise_and(iota, 7) * D
                for c in range(D):
                    t = plsc.load_gather(s_v, [rows, colb + c])
                    plsc.store_scatter(o_v, [orow, ocol0 + c], t)
            pltpu.sync_copy(o_v, out_hbm.at[pl.ds((row0 + r) * D, D)])
            return carry

        lax.fori_loop(0, rows_w, chunk, None)

    out = emb(tab128, idx2d, phi)
    return out.reshape(B, F * D)

# --- scband reference (transcript-rebuilt; emitter-appended) ---
"""Pipeline reference for scband-gandlf-embedding-layer-12283606468208 (READ-ONLY COPY).

The authoritative reference and input builder live on the scoring server;
editing this copy changes nothing except your own understanding.
"""

import jax, jax.numpy as jnp
import numpy as np

N_FIELDS = 26
VOCAB = 100000
EMBED_DIM = 16
BATCH = 16384


def setup_inputs(seed: int = 0) -> dict:
    key = jax.random.key(seed)
    k1, k2 = jax.random.split(key)
    x_cat = jax.random.randint(k1, (BATCH, N_FIELDS), 0, VOCAB).astype(jnp.int64)
    # 26 embedding tables, each [VOCAB, EMBED_DIM], stacked into one array
    tables = jax.random.normal(k2, (N_FIELDS, VOCAB, EMBED_DIM), dtype=jnp.float32) * 0.02
    return {"x_cat": x_cat, "tables": tables}


def reference(x_cat, tables):
    # Faithful translation of GandlfEmbeddingLayer.forward (eval mode, dropout = identity):
    # per-field embedding lookup followed by concatenation along the feature axis.
    if x_cat.shape[1] == 0:
        return x_cat
    embeds = []
    for i in range(N_FIELDS):
        embeds.append(jnp.take(tables[i], x_cat[:, i], axis=0))
    out = jnp.concatenate(embeds, axis=-1)
    return out

if __name__ == "__main__":
    import jax
    _d = setup_inputs()
    print(jax.jit(kernel)(*tuple(_d.values())))

</pallas_src>

<mosaic_0001>
#map = affine_map<(d0, d1) -> (0, 0)>
module attributes {stable_mosaic.version = 14 : i64} {
  func.func @emb(%arg0: i32, %arg1: i32, %arg2: memref<325000x128xf32, #tpu.memory_space<hbm>>, %arg3: memref<3328x128xi32, #tpu.memory_space<hbm>>, %arg4: memref<13x128xi32, #tpu.memory_space<hbm>>, %arg5: memref<53248x128xf32, #tpu.memory_space<hbm>>, %arg6: memref<104x128xi32, #tpu.memory_space<vmem>>, %arg7: memref<104x128xi32, #tpu.memory_space<vmem>>, %arg8: memref<13x128xi32, #tpu.memory_space<vmem>>, %arg9: memref<128x128xf32, #tpu.memory_space<vmem>>, %arg10: memref<16x128xf32, #tpu.memory_space<vmem>>, %arg11: memref<!tpu.dma_semaphore, #tpu.memory_space<semaphore_mem>>) attributes {dimension_semantics = [#tpu.dimension_semantics<core_parallel>, #tpu.dimension_semantics<subcore_parallel>], iteration_bounds = array<i64: 2, 16>, scalar_prefetch = 0 : i64, scratch_operands = 6 : i64, tpu.core_type = #tpu.core_type<sc_vector_subcore>, window_params = [{transform_indices = #map}, {transform_indices = #map}, {transform_indices = #map}, {transform_indices = #map}]} {
    %mul3A = arith.constant 2 : i32
    %mul3A_0 = arith.muli %arg1, %mul3A : i32
    %add3A = arith.addi %mul3A_0, %arg0 : i32
    %mul3A_1 = arith.constant 104 : i32
    %mul3A_2 = arith.muli %add3A, %mul3A_1 : i32
    "tpu.region"() ({
      %run_scoped3A = tpu.sem_alloc : memref<!tpu.dma_semaphore, #tpu.memory_space<semaphore_mem>>
      %dma_start3A = arith.constant 0 : i32
      %dma_start3A_12 = tpu.memref_slice %arg3[%mul3A_2, %dma_start3A] : memref<3328x128xi32, #tpu.memory_space<hbm>> -> memref<104x128xi32, #tpu.memory_space<hbm>>
      %dma_start3A_13 = arith.constant 0 : i32
      %dma_start3A_14 = tpu.memref_slice %arg3[%mul3A_2, %dma_start3A_13] : memref<3328x128xi32, #tpu.memory_space<hbm>> -> memref<104x128xi32, #tpu.memory_space<hbm>>
      tpu.enqueue_dma source(%dma_start3A_14 : memref<104x128xi32, #tpu.memory_space<hbm>>) target(%arg6 : memref<104x128xi32, #tpu.memory_space<vmem>>) target_semaphore(%run_scoped3A : memref<!tpu.dma_semaphore, #tpu.memory_space<semaphore_mem>>)
      %dma_wait3A = arith.constant 0 : i32
      %dma_wait3A_15 = tpu.memref_slice %arg3[%mul3A_2, %dma_wait3A] : memref<3328x128xi32, #tpu.memory_space<hbm>> -> memref<104x128xi32, #tpu.memory_space<hbm>>
      %dma_wait3A_16 = arith.constant 0 : i32
      %dma_wait3A_17 = tpu.memref_slice %arg3[%mul3A_2, %dma_wait3A_16] : memref<3328x128xi32, #tpu.memory_space<hbm>> -> memref<104x128xi32, #tpu.memory_space<hbm>>
      tpu.wait_dma2 semaphore(%run_scoped3A : memref<!tpu.dma_semaphore, #tpu.memory_space<semaphore_mem>>) src(%dma_wait3A_17 : memref<104x128xi32, #tpu.memory_space<hbm>>) dst(%arg6 : memref<104x128xi32, #tpu.memory_space<vmem>>)
      tpu.yield
    }) : () -> ()
    "tpu.region"() ({
      %run_scoped3A = tpu.sem_alloc : memref<!tpu.dma_semaphore, #tpu.memory_space<semaphore_mem>>
      tpu.enqueue_dma source(%arg4 : memref<13x128xi32, #tpu.memory_space<hbm>>) target(%arg8 : memref<13x128xi32, #tpu.memory_space<vmem>>) target_semaphore(%run_scoped3A : memref<!tpu.dma_semaphore, #tpu.memory_space<semaphore_mem>>)
      tpu.wait_dma2 semaphore(%run_scoped3A : memref<!tpu.dma_semaphore, #tpu.memory_space<semaphore_mem>>) src(%arg4 : memref<13x128xi32, #tpu.memory_space<hbm>>) dst(%arg8 : memref<13x128xi32, #tpu.memory_space<vmem>>)
      tpu.yield
    }) : () -> ()
    %scan3A = arith.constant 0 : i32
    %scan3A_3 = arith.constant 104 : i32
    %scan3A_4 = arith.addi %scan3A, %scan3A_3 : i32
    %scan3A_5 = arith.constant 1 : i32
    scf.for %scan3A_12 = %scan3A to %scan3A_4 step %scan3A_5  : i32 {
      %rem3A = arith.constant 13 : i32
      %rem3A_13 = arith.remsi %scan3A_12, %rem3A : i32
      %get3A = arith.index_cast %scan3A_12 : i32 to index
      %get3A_14 = arith.constant 0 : index
      %get3A_15 = tpu.vector_load %arg6[%get3A, %get3A_14] {strides = array<i32>} : memref<104x128xi32, #tpu.memory_space<vmem>>, vector<16xi32>,
      %and3A = arith.constant 7 : i32
      %and3A_16 = vector.broadcast %and3A : i32 to vector<16xi32>
      %and3A_17 = arith.andi %get3A_15, %and3A_16 : vector<16xi32>
      %swap3A = arith.index_cast %scan3A_12 : i32 to index
      %swap3A_18 = arith.constant 0 : index
      %swap3A_19 = tpu.vector_load %arg7[%swap3A, %swap3A_18] {strides = array<i32>} : memref<104x128xi32, #tpu.memory_space<vmem>>, vector<16xi32>,
      tpu.vector_store %arg7[%swap3A, %swap3A_18], %and3A_17 {strides = array<i32>} : memref<104x128xi32, #tpu.memory_space<vmem>>, vector<16xi32>,
      %shift_right_logical3A = arith.constant 3 : i32
      %shift_right_logical3A_20 = vector.broadcast %shift_right_logical3A : i32 to vector<16xi32>
      %shift_right_logical3A_21 = arith.shrui %get3A_15, %shift_right_logical3A_20 : vector<16xi32>
      %get3A_22 = arith.index_cast %rem3A_13 : i32 to index
      %get3A_23 = arith.constant 0 : index
      %get3A_24 = tpu.vector_load %arg8[%get3A_22, %get3A_23] {strides = array<i32>} : memref<13x128xi32, #tpu.memory_space<vmem>>, vector<16xi32>,
      %add3A_25 = arith.addi %shift_right_logical3A_21, %get3A_24 : vector<16xi32>
      %swap3A_26 = arith.index_cast %scan3A_12 : i32 to index
      %swap3A_27 = arith.constant 0 : index
      %swap3A_28 = tpu.vector_load %arg6[%swap3A_26, %swap3A_27] {strides = array<i32>} : memref<104x128xi32, #tpu.memory_space<vmem>>, vector<16xi32>,
      tpu.vector_store %arg6[%swap3A_26, %swap3A_27], %add3A_25 {strides = array<i32>} : memref<104x128xi32, #tpu.memory_space<vmem>>, vector<16xi32>,
      %get3A_29 = arith.index_cast %scan3A_12 : i32 to index
      %get3A_30 = arith.constant 16 : index
      %get3A_31 = tpu.vector_load %arg6[%get3A_29, %get3A_30] {strides = array<i32>} : memref<104x128xi32, #tpu.memory_space<vmem>>, vector<16xi32>,
      %and3A_32 = arith.constant 7 : i32
      %and3A_33 = vector.broadcast %and3A_32 : i32 to vector<16xi32>
      %and3A_34 = arith.andi %get3A_31, %and3A_33 : vector<16xi32>
      %swap3A_35 = arith.index_cast %scan3A_12 : i32 to index
      %swap3A_36 = arith.constant 16 : index
      %swap3A_37 = tpu.vector_load %arg7[%swap3A_35, %swap3A_36] {strides = array<i32>} : memref<104x128xi32, #tpu.memory_space<vmem>>, vector<16xi32>,
      tpu.vector_store %arg7[%swap3A_35, %swap3A_36], %and3A_34 {strides = array<i32>} : memref<104x128xi32, #tpu.memory_space<vmem>>, vector<16xi32>,
      %shift_right_logical3A_38 = arith.constant 3 : i32
      %shift_right_logical3A_39 = vector.broadcast %shift_right_logical3A_38 : i32 to vector<16xi32>
      %shift_right_logical3A_40 = arith.shrui %get3A_31, %shift_right_logical3A_39 : vector<16xi32>
      %get3A_41 = arith.index_cast %rem3A_13 : i32 to index
      %get3A_42 = arith.constant 16 : index
      %get3A_43 = tpu.vector_load %arg8[%get3A_41, %get3A_42] {strides = array<i32>} : memref<13x128xi32, #tpu.memory_space<vmem>>, vector<16xi32>,
      %add3A_44 = arith.addi %shift_right_logical3A_40, %get3A_43 : vector<16xi32>
      %swap3A_45 = arith.index_cast %scan3A_12 : i32 to index
      %swap3A_46 = arith.constant 16 : index
      %swap3A_47 = tpu.vector_load %arg6[%swap3A_45, %swap3A_46] {strides = array<i32>} : memref<104x128xi32, #tpu.memory_space<vmem>>, vector<16xi32>,
      tpu.vector_store %arg6[%swap3A_45, %swap3A_46], %add3A_44 {strides = array<i32>} : memref<104x128xi32, #tpu.memory_space<vmem>>, vector<16xi32>,
      %get3A_48 = arith.index_cast %scan3A_12 : i32 to index
      %get3A_49 = arith.constant 32 : index
      %get3A_50 = tpu.vector_load %arg6[%get3A_48, %get3A_49] {strides = array<i32>} : memref<104x128xi32, #tpu.memory_space<vmem>>, vector<16xi32>,
      %and3A_51 = arith.constant 7 : i32
      %and3A_52 = vector.broadcast %and3A_51 : i32 to vector<16xi32>
      %and3A_53 = arith.andi %get3A_50, %and3A_52 : vector<16xi32>
      %swap3A_54 = arith.index_cast %scan3A_12 : i32 to index
      %swap3A_55 = arith.constant 32 : index
      %swap3A_56 = tpu.vector_load %arg7[%swap3A_54, %swap3A_55] {strides = array<i32>} : memref<104x128xi32, #tpu.memory_space<vmem>>, vector<16xi32>,
      tpu.vector_store %arg7[%swap3A_54, %swap3A_55], %and3A_53 {strides = array<i32>} : memref<104x128xi32, #tpu.memory_space<vmem>>, vector<16xi32>,
      %shift_right_logical3A_57 = arith.constant 3 : i32
      %shift_right_logical3A_58 = vector.broadcast %shift_right_logical3A_57 : i32 to vector<16xi32>
      %shift_right_logical3A_59 = arith.shrui %get3A_50, %shift_right_logical3A_58 : vector<16xi32>
      %get3A_60 = arith.index_cast %rem3A_13 : i32 to index
      %get3A_61 = arith.constant 32 : index
      %get3A_62 = tpu.vector_load %arg8[%get3A_60, %get3A_61] {strides = array<i32>} : memref<13x128xi32, #tpu.memory_space<vmem>>, vector<16xi32>,
      %add3A_63 = arith.addi %shift_right_logical3A_59, %get3A_62 : vector<16xi32>
      %swap3A_64 = arith.index_cast %scan3A_12 : i32 to index
      %swap3A_65 = arith.constant 32 : index
      %swap3A_66 = tpu.vector_load %arg6[%swap3A_64, %swap3A_65] {strides = array<i32>} : memref<104x128xi32, #tpu.memory_space<vmem>>, vector<16xi32>,
      tpu.vector_store %arg6[%swap3A_64, %swap3A_65], %add3A_63 {strides = array<i32>} : memref<104x128xi32, #tpu.memory_space<vmem>>, vector<16xi32>,
      %get3A_67 = arith.index_cast %scan3A_12 : i32 to index
      %get3A_68 = arith.constant 48 : index
      %get3A_69 = tpu.vector_load %arg6[%get3A_67, %get3A_68] {strides = array<i32>} : memref<104x128xi32, #tpu.memory_space<vmem>>, vector<16xi32>,
      %and3A_70 = arith.constant 7 : i32
      %and3A_71 = vector.broadcast %and3A_70 : i32 to vector<16xi32>
      %and3A_72 = arith.andi %get3A_69, %and3A_71 : vector<16xi32>
      %swap3A_73 = arith.index_cast %scan3A_12 : i32 to index
      %swap3A_74 = arith.constant 48 : index
      %swap3A_75 = tpu.vector_load %arg7[%swap3A_73, %swap3A_74] {strides = array<i32>} : memref<104x128xi32, #tpu.memory_space<vmem>>, vector<16xi32>,
      tpu.vector_store %arg7[%swap3A_73, %swap3A_74], %and3A_72 {strides = array<i32>} : memref<104x128xi32, #tpu.memory_space<vmem>>, vector<16xi32>,
      %shift_right_logical3A_76 = arith.constant 3 : i32
      %shift_right_logical3A_77 = vector.broadcast %shift_right_logical3A_76 : i32 to vector<16xi32>
      %shift_right_logical3A_78 = arith.shrui %get3A_69, %shift_right_logical3A_77 : vector<16xi32>
      %get3A_79 = arith.index_cast %rem3A_13 : i32 to index
      %get3A_80 = arith.constant 48 : index
      %get3A_81 = tpu.vector_load %arg8[%get3A_79, %get3A_80] {strides = array<i32>} : memref<13x128xi32, #tpu.memory_space<vmem>>, vector<16xi32>,
      %add3A_82 = arith.addi %shift_right_logical3A_78, %get3A_81 : vector<16xi32>
      %swap3A_83 = arith.index_cast %scan3A_12 : i32 to index
      %swap3A_84 = arith.constant 48 : index
      %swap3A_85 = tpu.vector_load %arg6[%swap3A_83, %swap3A_84] {strides = array<i32>} : memref<104x128xi32, #tpu.memory_space<vmem>>, vector<16xi32>,
      tpu.vector_store %arg6[%swap3A_83, %swap3A_84], %add3A_82 {strides = array<i32>} : memref<104x128xi32, #tpu.memory_space<vmem>>, vector<16xi32>,
      %get3A_86 = arith.index_cast %scan3A_12 : i32 to index
      %get3A_87 = arith.constant 64 : index
      %get3A_88 = tpu.vector_load %arg6[%get3A_86, %get3A_87] {strides = array<i32>} : memref<104x128xi32, #tpu.memory_space<vmem>>, vector<16xi32>,
      %and3A_89 = arith.constant 7 : i32
      %and3A_90 = vector.broadcast %and3A_89 : i32 to vector<16xi32>
      %and3A_91 = arith.andi %get3A_88, %and3A_90 : vector<16xi32>
      %swap3A_92 = arith.index_cast %scan3A_12 : i32 to index
      %swap3A_93 = arith.constant 64 : index
      %swap3A_94 = tpu.vector_load %arg7[%swap3A_92, %swap3A_93] {strides = array<i32>} : memref<104x128xi32, #tpu.memory_space<vmem>>, vector<16xi32>,
      tpu.vector_store %arg7[%swap3A_92, %swap3A_93], %and3A_91 {strides = array<i32>} : memref<104x128xi32, #tpu.memory_space<vmem>>, vector<16xi32>,
      %shift_right_logical3A_95 = arith.constant 3 : i32
      %shift_right_logical3A_96 = vector.broadcast %shift_right_logical3A_95 : i32 to vector<16xi32>
      %shift_right_logical3A_97 = arith.shrui %get3A_88, %shift_right_logical3A_96 : vector<16xi32>
      %get3A_98 = arith.index_cast %rem3A_13 : i32 to index
      %get3A_99 = arith.constant 64 : index
      %get3A_100 = tpu.vector_load %arg8[%get3A_98, %get3A_99] {strides = array<i32>} : memref<13x128xi32, #tpu.memory_space<vmem>>, vector<16xi32>,
      %add3A_101 = arith.addi %shift_right_logical3A_97, %get3A_100 : vector<16xi32>
      %swap3A_102 = arith.index_cast %scan3A_12 : i32 to index
      %swap3A_103 = arith.constant 64 : index
      %swap3A_104 = tpu.vector_load %arg6[%swap3A_102, %swap3A_103] {strides = array<i32>} : memref<104x128xi32, #tpu.memory_space<vmem>>, vector<16xi32>,
      tpu.vector_store %arg6[%swap3A_102, %swap3A_103], %add3A_101 {strides = array<i32>} : memref<104x128xi32, #tpu.memory_space<vmem>>, vector<16xi32>,
      %get3A_105 = arith.index_cast %scan3A_12 : i32 to index
      %get3A_106 = arith.constant 80 : index
      %get3A_107 = tpu.vector_load %arg6[%get3A_105, %get3A_106] {strides = array<i32>} : memref<104x128xi32, #tpu.memory_space<vmem>>, vector<16xi32>,
      %and3A_108 = arith.constant 7 : i32
      %and3A_109 = vector.broadcast %and3A_108 : i32 to vector<16xi32>
      %and3A_110 = arith.andi %get3A_107, %and3A_109 : vector<16xi32>
      %swap3A_111 = arith.index_cast %scan3A_12 : i32 to index
      %swap3A_112 = arith.constant 80 : index
      %swap3A_113 = tpu.vector_load %arg7[%swap3A_111, %swap3A_112] {strides = array<i32>} : memref<104x128xi32, #tpu.memory_space<vmem>>, vector<16xi32>,
      tpu.vector_store %arg7[%swap3A_111, %swap3A_112], %and3A_110 {strides = array<i32>} : memref<104x128xi32, #tpu.memory_space<vmem>>, vector<16xi32>,
      %shift_right_logical3A_114 = arith.constant 3 : i32
      %shift_right_logical3A_115 = vector.broadcast %shift_right_logical3A_114 : i32 to vector<16xi32>
      %shift_right_logical3A_116 = arith.shrui %get3A_107, %shift_right_logical3A_115 : vector<16xi32>
      %get3A_117 = arith.index_cast %rem3A_13 : i32 to index
      %get3A_118 = arith.constant 80 : index
      %get3A_119 = tpu.vector_load %arg8[%get3A_117, %get3A_118] {strides = array<i32>} : memref<13x128xi32, #tpu.memory_space<vmem>>, vector<16xi32>,
      %add3A_120 = arith.addi %shift_right_logical3A_116, %get3A_119 : vector<16xi32>
      %swap3A_121 = arith.index_cast %scan3A_12 : i32 to index
      %swap3A_122 = arith.constant 80 : index
      %swap3A_123 = tpu.vector_load %arg6[%swap3A_121, %swap3A_122] {strides = array<i32>} : memref<104x128xi32, #tpu.memory_space<vmem>>, vector<16xi32>,
      tpu.vector_store %arg6[%swap3A_121, %swap3A_122], %add3A_120 {strides = array<i32>} : memref<104x128xi32, #tpu.memory_space<vmem>>, vector<16xi32>,
      %get3A_124 = arith.index_cast %scan3A_12 : i32 to index
      %get3A_125 = arith.constant 96 : index
      %get3A_126 = tpu.vector_load %arg6[%get3A_124, %get3A_125] {strides = array<i32>} : memref<104x128xi32, #tpu.memory_space<vmem>>, vector<16xi32>,
      %and3A_127 = arith.constant 7 : i32
      %and3A_128 = vector.broadcast %and3A_127 : i32 to vector<16xi32>
      %and3A_129 = arith.andi %get3A_126, %and3A_128 : vector<16xi32>
      %swap3A_130 = arith.index_cast %scan3A_12 : i32 to index
      %swap3A_131 = arith.constant 96 : index
      %swap3A_132 = tpu.vector_load %arg7[%swap3A_130, %swap3A_131] {strides = array<i32>} : memref<104x128xi32, #tpu.memory_space<vmem>>, vector<16xi32>,
      tpu.vector_store %arg7[%swap3A_130, %swap3A_131], %and3A_129 {strides = array<i32>} : memref<104x128xi32, #tpu.memory_space<vmem>>, vector<16xi32>,
      %shift_right_logical3A_133 = arith.constant 3 : i32
      %shift_right_logical3A_134 = vector.broadcast %shift_right_logical3A_133 : i32 to vector<16xi32>
      %shift_right_logical3A_135 = arith.shrui %get3A_126, %shift_right_logical3A_134 : vector<16xi32>
      %get3A_136 = arith.index_cast %rem3A_13 : i32 to index
      %get3A_137 = arith.constant 96 : index
      %get3A_138 = tpu.vector_load %arg8[%get3A_136, %get3A_137] {strides = array<i32>} : memref<13x128xi32, #tpu.memory_space<vmem>>, vector<16xi32>,
      %add3A_139 = arith.addi %shift_right_logical3A_135, %get3A_138 : vector<16xi32>
      %swap3A_140 = arith.index_cast %scan3A_12 : i32 to index
      %swap3A_141 = arith.constant 96 : index
      %swap3A_142 = tpu.vector_load %arg6[%swap3A_140, %swap3A_141] {strides = array<i32>} : memref<104x128xi32, #tpu.memory_space<vmem>>, vector<16xi32>,
      tpu.vector_store %arg6[%swap3A_140, %swap3A_141], %add3A_139 {strides = array<i32>} : memref<104x128xi32, #tpu.memory_space<vmem>>, vector<16xi32>,
      %get3A_143 = arith.index_cast %scan3A_12 : i32 to index
      %get3A_144 = arith.constant 112 : index
      %get3A_145 = tpu.vector_load %arg6[%get3A_143, %get3A_144] {strides = array<i32>} : memref<104x128xi32, #tpu.memory_space<vmem>>, vector<16xi32>,
      %and3A_146 = arith.constant 7 : i32
      %and3A_147 = vector.broadcast %and3A_146 : i32 to vector<16xi32>
      %and3A_148 = arith.andi %get3A_145, %and3A_147 : vector<16xi32>
      %swap3A_149 = arith.index_cast %scan3A_12 : i32 to index
      %swap3A_150 = arith.constant 112 : index
      %swap3A_151 = tpu.vector_load %arg7[%swap3A_149, %swap3A_150] {strides = array<i32>} : memref<104x128xi32, #tpu.memory_space<vmem>>, vector<16xi32>,
      tpu.vector_store %arg7[%swap3A_149, %swap3A_150], %and3A_148 {strides = array<i32>} : memref<104x128xi32, #tpu.memory_space<vmem>>, vector<16xi32>,
      %shift_right_logical3A_152 = arith.constant 3 : i32
      %shift_right_logical3A_153 = vector.broadcast %shift_right_logical3A_152 : i32 to vector<16xi32>
      %shift_right_logical3A_154 = arith.shrui %get3A_145, %shift_right_logical3A_153 : vector<16xi32>
      %get3A_155 = arith.index_cast %rem3A_13 : i32 to index
      %get3A_156 = arith.constant 112 : index
      %get3A_157 = tpu.vector_load %arg8[%get3A_155, %get3A_156] {strides = array<i32>} : memref<13x128xi32, #tpu.memory_space<vmem>>, vector<16xi32>,
      %add3A_158 = arith.addi %shift_right_logical3A_154, %get3A_157 : vector<16xi32>
      %swap3A_159 = arith.index_cast %scan3A_12 : i32 to index
      %swap3A_160 = arith.constant 112 : index
      %swap3A_161 = tpu.vector_load %arg6[%swap3A_159, %swap3A_160] {strides = array<i32>} : memref<104x128xi32, #tpu.memory_space<vmem>>, vector<16xi32>,
      tpu.vector_store %arg6[%swap3A_159, %swap3A_160], %add3A_158 {strides = array<i32>} : memref<104x128xi32, #tpu.memory_space<vmem>>, vector<16xi32>,
    }
    %scan3A_6 = arith.constant 104 : i32
    %iota3A = tpu.iota {dimensions = array<i32: 0>} : vector<16xi32>
    %scan3A_7 = arith.constant 0 : i32
    %scan3A_8 = arith.constant 104 : i32
    %scan3A_9 = arith.addi %scan3A_7, %scan3A_8 : i32
    %scan3A_10 = arith.constant 1 : i32
    scf.for %scan3A_12 = %scan3A_7 to %scan3A_9 step %scan3A_10  : i32 {
      %dma_start3A = arith.constant 0 : i32
      %dma_start3A_13 = tpu.memref_slice %arg6[%scan3A_12, %dma_start3A] : memref<104x128xi32, #tpu.memory_space<vmem>> -> memref<1x128xi32, #tpu.memory_space<vmem>>
      %dma_start3A_14 = tpu.memref_squeeze %dma_start3A_13 : memref<1x128xi32, #tpu.memory_space<vmem>> -> memref<128xi32, #tpu.memory_space<vmem>>
      %dma_start3A_15 = arith.constant 0 : i32
      %dma_start3A_16 = arith.constant 0 : i32
      %dma_start3A_17 = tpu.memref_slice %arg2[%dma_start3A_15, %dma_start3A_16] : memref<325000x128xf32, #tpu.memory_space<hbm>> -> memref<325000x128xf32, #tpu.memory_space<hbm>>
      tpu.enqueue_indirect_dma source(%dma_start3A_17 : memref<325000x128xf32, #tpu.memory_space<hbm>>) target(%arg9 : memref<128x128xf32, #tpu.memory_space<vmem>>) offsets(%dma_start3A_14 : memref<128xi32, #tpu.memory_space<vmem>>) semaphore(%arg11 : memref<!tpu.dma_semaphore, #tpu.memory_space<semaphore_mem>>)
      %dma_wait3A = arith.constant 0 : i32
      %dma_wait3A_18 = tpu.memref_slice %arg6[%scan3A_12, %dma_wait3A] : memref<104x128xi32, #tpu.memory_space<vmem>> -> memref<1x128xi32, #tpu.memory_space<vmem>>
      %dma_wait3A_19 = tpu.memref_squeeze %dma_wait3A_18 : memref<1x128xi32, #tpu.memory_space<vmem>> -> memref<128xi32, #tpu.memory_space<vmem>>
      %dma_wait3A_20 = arith.constant 0 : i32
      %dma_wait3A_21 = arith.constant 0 : i32
      %dma_wait3A_22 = tpu.memref_slice %arg2[%dma_wait3A_20, %dma_wait3A_21] : memref<325000x128xf32, #tpu.memory_space<hbm>> -> memref<325000x128xf32, #tpu.memory_space<hbm>>
      tpu.wait_indirect_dma semaphore(%arg11 : memref<!tpu.dma_semaphore, #tpu.memory_space<semaphore_mem>>) src(%dma_wait3A_22 : memref<325000x128xf32, #tpu.memory_space<hbm>>) dst(%arg9 : memref<128x128xf32, #tpu.memory_space<vmem>>)
      %add3A_23 = arith.constant 0 : i32
      %add3A_24 = vector.broadcast %add3A_23 : i32 to vector<16xi32>
      %add3A_25 = arith.addi %add3A_24, %iota3A : vector<16xi32>
      %get3A = arith.index_cast %scan3A_12 : i32 to index
      %get3A_26 = arith.constant 0 : index
      %get3A_27 = tpu.vector_load %arg7[%get3A, %get3A_26] {strides = array<i32>} : memref<104x128xi32, #tpu.memory_space<vmem>>, vector<16xi32>,
      %mul3A_28 = arith.constant 16 : i32
      %mul3A_29 = vector.broadcast %mul3A_28 : i32 to vector<16xi32>
      %mul3A_30 = arith.muli %get3A_27, %mul3A_29 : vector<16xi32>
      %shift_right_logical3A = arith.constant 3 : i32
      %shift_right_logical3A_31 = vector.broadcast %shift_right_logical3A : i32 to vector<16xi32>
      %shift_right_logical3A_32 = arith.shrui %iota3A, %shift_right_logical3A_31 : vector<16xi32>
      %add3A_33 = arith.constant 0 : i32
      %add3A_34 = vector.broadcast %add3A_33 : i32 to vector<16xi32>
      %add3A_35 = arith.addi %add3A_34, %shift_right_logical3A_32 : vector<16xi32>
      %and3A = arith.constant 7 : i32
      %and3A_36 = vector.broadcast %and3A : i32 to vector<16xi32>
      %and3A_37 = arith.andi %iota3A, %and3A_36 : vector<16xi32>
      %mul3A_38 = arith.constant 16 : i32
      %mul3A_39 = vector.broadcast %mul3A_38 : i32 to vector<16xi32>
      %mul3A_40 = arith.muli %and3A_37, %mul3A_39 : vector<16xi32>
      %add3A_41 = arith.constant 0 : i32
      %add3A_42 = vector.broadcast %add3A_41 : i32 to vector<16xi32>
      %add3A_43 = arith.addi %mul3A_30, %add3A_42 : vector<16xi32>
      %gather3A = tpu.vector_load_idx %arg9[%add3A_25, %add3A_43] : memref<128x128xf32, #tpu.memory_space<vmem>>[vector<16xi32>, vector<16xi32>], vector<16xf32>,
      %add3A_44 = arith.constant 0 : i32
      %add3A_45 = vector.broadcast %add3A_44 : i32 to vector<16xi32>
      %add3A_46 = arith.addi %mul3A_40, %add3A_45 : vector<16xi32>
      tpu.vector_store_idx %arg10[%add3A_35, %add3A_46], %gather3A : memref<16x128xf32, #tpu.memory_space<vmem>>[vector<16xi32>, vector<16xi32>], vector<16xf32>,
      %add3A_47 = arith.constant 1 : i32
      %add3A_48 = vector.broadcast %add3A_47 : i32 to vector<16xi32>
      %add3A_49 = arith.addi %mul3A_30, %add3A_48 : vector<16xi32>
      %gather3A_50 = tpu.vector_load_idx %arg9[%add3A_25, %add3A_49] : memref<128x128xf32, #tpu.memory_space<vmem>>[vector<16xi32>, vector<16xi32>], vector<16xf32>,
      %add3A_51 = arith.constant 1 : i32
      %add3A_52 = vector.broadcast %add3A_51 : i32 to vector<16xi32>
      %add3A_53 = arith.addi %mul3A_40, %add3A_52 : vector<16xi32>
      tpu.vector_store_idx %arg10[%add3A_35, %add3A_53], %gather3A_50 : memref<16x128xf32, #tpu.memory_space<vmem>>[vector<16xi32>, vector<16xi32>], vector<16xf32>,
      %add3A_54 = arith.constant 2 : i32
      %add3A_55 = vector.broadcast %add3A_54 : i32 to vector<16xi32>
      %add3A_56 = arith.addi %mul3A_30, %add3A_55 : vector<16xi32>
      %gather3A_57 = tpu.vector_load_idx %arg9[%add3A_25, %add3A_56] : memref<128x128xf32, #tpu.memory_space<vmem>>[vector<16xi32>, vector<16xi32>], vector<16xf32>,
      %add3A_58 = arith.constant 2 : i32
      %add3A_59 = vector.broadcast %add3A_58 : i32 to vector<16xi32>
      %add3A_60 = arith.addi %mul3A_40, %add3A_59 : vector<16xi32>
      tpu.vector_store_idx %arg10[%add3A_35, %add3A_60], %gather3A_57 : memref<16x128xf32, #tpu.memory_space<vmem>>[vector<16xi32>, vector<16xi32>], vector<16xf32>,
      %add3A_61 = arith.constant 3 : i32
      %add3A_62 = vector.broadcast %add3A_61 : i32 to vector<16xi32>
      %add3A_63 = arith.addi %mul3A_30, %add3A_62 : vector<16xi32>
      %gather3A_64 = tpu.vector_load_idx %arg9[%add3A_25, %add3A_63] : memref<128x128xf32, #tpu.memory_space<vmem>>[vector<16xi32>, vector<16xi32>], vector<16xf32>,
      %add3A_65 = arith.constant 3 : i32
      %add3A_66 = vector.broadcast %add3A_65 : i32 to vector<16xi32>
      %add3A_67 = arith.addi %mul3A_40, %add3A_66 : vector<16xi32>
      tpu.vector_store_idx %arg10[%add3A_35, %add3A_67], %gather3A_64 : memref<16x128xf32, #tpu.memory_space<vmem>>[vector<16xi32>, vector<16xi32>], vector<16xf32>,
      %add3A_68 = arith.constant 4 : i32
      %add3A_69 = vector.broadcast %add3A_68 : i32 to vector<16xi32>
      %add3A_70 = arith.addi %mul3A_30, %add3A_69 : vector<16xi32>
      %gather3A_71 = tpu.vector_load_idx %arg9[%add3A_25, %add3A_70] : memref<128x128xf32, #tpu.memory_space<vmem>>[vector<16xi32>, vector<16xi32>], vector<16xf32>,
      %add3A_72 = arith.constant 4 : i32
      %add3A_73 = vector.broadcast %add3A_72 : i32 to vector<16xi32>
      %add3A_74 = arith.addi %mul3A_40, %add3A_73 : vector<16xi32>
      tpu.vector_store_idx %arg10[%add3A_35, %add3A_74], %gather3A_71 : memref<16x128xf32, #tpu.memory_space<vmem>>[vector<16xi32>, vector<16xi32>], vector<16xf32>,
      %add3A_75 = arith.constant 5 : i32
      %add3A_76 = vector.broadcast %add3A_75 : i32 to vector<16xi32>
      %add3A_77 = arith.addi %mul3A_30, %add3A_76 : vector<16xi32>
      %gather3A_78 = tpu.vector_load_idx %arg9[%add3A_25, %add3A_77] : memref<128x128xf32, #tpu.memory_space<vmem>>[vector<16xi32>, vector<16xi32>], vector<16xf32>,
      %add3A_79 = arith.constant 5 : i32
      %add3A_80 = vector.broadcast %add3A_79 : i32 to vector<16xi32>
      %add3A_81 = arith.addi %mul3A_40, %add3A_80 : vector<16xi32>
      tpu.vector_store_idx %arg10[%add3A_35, %add3A_81], %gather3A_78 : memref<16x128xf32, #tpu.memory_space<vmem>>[vector<16xi32>, vector<16xi32>], vector<16xf32>,
      %add3A_82 = arith.constant 6 : i32
      %add3A_83 = vector.broadcast %add3A_82 : i32 to vector<16xi32>
      %add3A_84 = arith.addi %mul3A_30, %add3A_83 : vector<16xi32>
      %gather3A_85 = tpu.vector_load_idx %arg9[%add3A_25, %add3A_84] : memref<128x128xf32, #tpu.memory_space<vmem>>[vector<16xi32>, vector<16xi32>], vector<16xf32>,
      %add3A_86 = arith.constant 6 : i32
      %add3A_87 = vector.broadcast %add3A_86 : i32 to vector<16xi32>
      %add3A_88 = arith.addi %mul3A_40, %add3A_87 : vector<16xi32>
      tpu.vector_store_idx %arg10[%add3A_35, %add3A_88], %gather3A_85 : memref<16x128xf32, #tpu.memory_space<vmem>>[vector<16xi32>, vector<16xi32>], vector<16xf32>,
      %add3A_89 = arith.constant 7 : i32
      %add3A_90 = vector.broadcast %add3A_89 : i32 to vector<16xi32>
      %add3A_91 = arith.addi %mul3A_30, %add3A_90 : vector<16xi32>
      %gather3A_92 = tpu.vector_load_idx %arg9[%add3A_25, %add3A_91] : memref<128x128xf32, #tpu.memory_space<vmem>>[vector<16xi32>, vector<16xi32>], vector<16xf32>,
      %add3A_93 = arith.constant 7 : i32
      %add3A_94 = vector.broadcast %add3A_93 : i32 to vector<16xi32>
      %add3A_95 = arith.addi %mul3A_40, %add3A_94 : vector<16xi32>
      tpu.vector_store_idx %arg10[%add3A_35, %add3A_95], %gather3A_92 : memref<16x128xf32, #tpu.memory_space<vmem>>[vector<16xi32>, vector<16xi32>], vector<16xf32>,
      %add3A_96 = arith.constant 8 : i32
      %add3A_97 = vector.broadcast %add3A_96 : i32 to vector<16xi32>
      %add3A_98 = arith.addi %mul3A_30, %add3A_97 : vector<16xi32>
      %gather3A_99 = tpu.vector_load_idx %arg9[%add3A_25, %add3A_98] : memref<128x128xf32, #tpu.memory_space<vmem>>[vector<16xi32>, vector<16xi32>], vector<16xf32>,
      %add3A_100 = arith.constant 8 : i32
      %add3A_101 = vector.broadcast %add3A_100 : i32 to vector<16xi32>
      %add3A_102 = arith.addi %mul3A_40, %add3A_101 : vector<16xi32>
      tpu.vector_store_idx %arg10[%add3A_35, %add3A_102], %gather3A_99 : memref<16x128xf32, #tpu.memory_space<vmem>>[vector<16xi32>, vector<16xi32>], vector<16xf32>,
      %add3A_103 = arith.constant 9 : i32
      %add3A_104 = vector.broadcast %add3A_103 : i32 to vector<16xi32>
      %add3A_105 = arith.addi %mul3A_30, %add3A_104 : vector<16xi32>
      %gather3A_106 = tpu.vector_load_idx %arg9[%add3A_25, %add3A_105] : memref<128x128xf32, #tpu.memory_space<vmem>>[vector<16xi32>, vector<16xi32>], vector<16xf32>,
      %add3A_107 = arith.constant 9 : i32
      %add3A_108 = vector.broadcast %add3A_107 : i32 to vector<16xi32>
      %add3A_109 = arith.addi %mul3A_40, %add3A_108 : vector<16xi32>
      tpu.vector_store_idx %arg10[%add3A_35, %add3A_109], %gather3A_106 : memref<16x128xf32, #tpu.memory_space<vmem>>[vector<16xi32>, vector<16xi32>], vector<16xf32>,
      %add3A_110 = arith.constant 10 : i32
      %add3A_111 = vector.broadcast %add3A_110 : i32 to vector<16xi32>
      %add3A_112 = arith.addi %mul3A_30, %add3A_111 : vector<16xi32>
      %gather3A_113 = tpu.vector_load_idx %arg9[%add3A_25, %add3A_112] : memref<128x128xf32, #tpu.memory_space<vmem>>[vector<16xi32>, vector<16xi32>], vector<16xf32>,
      %add3A_114 = arith.constant 10 : i32
      %add3A_115 = vector.broadcast %add3A_114 : i32 to vector<16xi32>
      %add3A_116 = arith.addi %mul3A_40, %add3A_115 : vector<16xi32>
      tpu.vector_store_idx %arg10[%add3A_35, %add3A_116], %gather3A_113 : memref<16x128xf32, #tpu.memory_space<vmem>>[vector<16xi32>, vector<16xi32>], vector<16xf32>,
      %add3A_117 = arith.constant 11 : i32
      %add3A_118 = vector.broadcast %add3A_117 : i32 to vector<16xi32>
      %add3A_119 = arith.addi %mul3A_30, %add3A_118 : vector<16xi32>
      %gather3A_120 = tpu.vector_load_idx %arg9[%add3A_25, %add3A_119] : memref<128x128xf32, #tpu.memory_space<vmem>>[vector<16xi32>, vector<16xi32>], vector<16xf32>,
      %add3A_121 = arith.constant 11 : i32
      %add3A_122 = vector.broadcast %add3A_121 : i32 to vector<16xi32>
      %add3A_123 = arith.addi %mul3A_40, %add3A_122 : vector<16xi32>
      tpu.vector_store_idx %arg10[%add3A_35, %add3A_123], %gather3A_120 : memref<16x128xf32, #tpu.memory_space<vmem>>[vector<16xi32>, vector<16xi32>], vector<16xf32>,
      %add3A_124 = arith.constant 12 : i32
      %add3A_125 = vector.broadcast %add3A_124 : i32 to vector<16xi32>
      %add3A_126 = arith.addi %mul3A_30, %add3A_125 : vector<16xi32>
      %gather3A_127 = tpu.vector_load_idx %arg9[%add3A_25, %add3A_126] : memref<128x128xf32, #tpu.memory_space<vmem>>[vector<16xi32>, vector<16xi32>], vector<16xf32>,
      %add3A_128 = arith.constant 12 : i32
      %add3A_129 = vector.broadcast %add3A_128 : i32 to vector<16xi32>
      %add3A_130 = arith.addi %mul3A_40, %add3A_129 : vector<16xi32>
      tpu.vector_store_idx %arg10[%add3A_35, %add3A_130], %gather3A_127 : memref<16x128xf32, #tpu.memory_space<vmem>>[vector<16xi32>, vector<16xi32>], vector<16xf32>,
      %add3A_131 = arith.constant 13 : i32
      %add3A_132 = vector.broadcast %add3A_131 : i32 to vector<16xi32>
      %add3A_133 = arith.addi %mul3A_30, %add3A_132 : vector<16xi32>
      %gather3A_134 = tpu.vector_load_idx %arg9[%add3A_25, %add3A_133] : memref<128x128xf32, #tpu.memory_space<vmem>>[vector<16xi32>, vector<16xi32>], vector<16xf32>,
      %add3A_135 = arith.constant 13 : i32
      %add3A_136 = vector.broadcast %add3A_135 : i32 to vector<16xi32>
      %add3A_137 = arith.addi %mul3A_40, %add3A_136 : vector<16xi32>
      tpu.vector_store_idx %arg10[%add3A_35, %add3A_137], %gather3A_134 : memref<16x128xf32, #tpu.memory_space<vmem>>[vector<16xi32>, vector<16xi32>], vector<16xf32>,
      %add3A_138 = arith.constant 14 : i32
      %add3A_139 = vector.broadcast %add3A_138 : i32 to vector<16xi32>
      %add3A_140 = arith.addi %mul3A_30, %add3A_139 : vector<16xi32>
      %gather3A_141 = tpu.vector_load_idx %arg9[%add3A_25, %add3A_140] : memref<128x128xf32, #tpu.memory_space<vmem>>[vector<16xi32>, vector<16xi32>], vector<16xf32>,
      %add3A_142 = arith.constant 14 : i32
      %add3A_143 = vector.broadcast %add3A_142 : i32 to vector<16xi32>
      %add3A_144 = arith.addi %mul3A_40, %add3A_143 : vector<16xi32>
      tpu.vector_store_idx %arg10[%add3A_35, %add3A_144], %gather3A_141 : memref<16x128xf32, #tpu.memory_space<vmem>>[vector<16xi32>, vector<16xi32>], vector<16xf32>,
      %add3A_145 = arith.constant 15 : i32
      %add3A_146 = vector.broadcast %add3A_145 : i32 to vector<16xi32>
      %add3A_147 = arith.addi %mul3A_30, %add3A_146 : vector<16xi32>
      %gather3A_148 = tpu.vector_load_idx %arg9[%add3A_25, %add3A_147] : memref<128x128xf32, #tpu.memory_space<vmem>>[vector<16xi32>, vector<16xi32>], vector<16xf32>,
      %add3A_149 = arith.constant 15 : i32
      %add3A_150 = vector.broadcast %add3A_149 : i32 to vector<16xi32>
      %add3A_151 = arith.addi %mul3A_40, %add3A_150 : vector<16xi32>
      tpu.vector_store_idx %arg10[%add3A_35, %add3A_151], %gather3A_148 : memref<16x128xf32, #tpu.memory_space<vmem>>[vector<16xi32>, vector<16xi32>], vector<16xf32>,
      %add3A_152 = arith.constant 16 : i32
      %add3A_153 = vector.broadcast %add3A_152 : i32 to vector<16xi32>
      %add3A_154 = arith.addi %add3A_153, %iota3A : vector<16xi32>
      %get3A_155 = arith.index_cast %scan3A_12 : i32 to index
      %get3A_156 = arith.constant 16 : index
      %get3A_157 = tpu.vector_load %arg7[%get3A_155, %get3A_156] {strides = array<i32>} : memref<104x128xi32, #tpu.memory_space<vmem>>, vector<16xi32>,
      %mul3A_158 = arith.constant 16 : i32
      %mul3A_159 = vector.broadcast %mul3A_158 : i32 to vector<16xi32>
      %mul3A_160 = arith.muli %get3A_157, %mul3A_159 : vector<16xi32>
      %shift_right_logical3A_161 = arith.constant 3 : i32
      %shift_right_logical3A_162 = vector.broadcast %shift_right_logical3A_161 : i32 to vector<16xi32>
      %shift_right_logical3A_163 = arith.shrui %iota3A, %shift_right_logical3A_162 : vector<16xi32>
      %add3A_164 = arith.constant 2 : i32
      %add3A_165 = vector.broadcast %add3A_164 : i32 to vector<16xi32>
      %add3A_166 = arith.addi %add3A_165, %shift_right_logical3A_163 : vector<16xi32>
      %and3A_167 = arith.constant 7 : i32
      %and3A_168 = vector.broadcast %and3A_167 : i32 to vector<16xi32>
      %and3A_169 = arith.andi %iota3A, %and3A_168 : vector<16xi32>
      %mul3A_170 = arith.constant 16 : i32
      %mul3A_171 = vector.broadcast %mul3A_170 : i32 to vector<16xi32>
      %mul3A_172 = arith.muli %and3A_169, %mul3A_171 : vector<16xi32>
      %add3A_173 = arith.constant 0 : i32
      %add3A_174 = vector.broadcast %add3A_173 : i32 to vector<16xi32>
      %add3A_175 = arith.addi %mul3A_160, %add3A_174 : vector<16xi32>
      %gather3A_176 = tpu.vector_load_idx %arg9[%add3A_154, %add3A_175] : memref<128x128xf32, #tpu.memory_space<vmem>>[vector<16xi32>, vector<16xi32>], vector<16xf32>,
      %add3A_177 = arith.constant 0 : i32
      %add3A_178 = vector.broadcast %add3A_177 : i32 to vector<16xi32>
      %add3A_179 = arith.addi %mul3A_172, %add3A_178 : vector<16xi32>
      tpu.vector_store_idx %arg10[%add3A_166, %add3A_179], %gather3A_176 : memref<16x128xf32, #tpu.memory_space<vmem>>[vector<16xi32>, vector<16xi32>], vector<16xf32>,
      %add3A_180 = arith.constant 1 : i32
      %add3A_181 = vector.broadcast %add3A_180 : i32 to vector<16xi32>
      %add3A_182 = arith.addi %mul3A_160, %add3A_181 : vector<16xi32>
      %gather3A_183 = tpu.vector_load_idx %arg9[%add3A_154, %add3A_182] : memref<128x128xf32, #tpu.memory_space<vmem>>[vector<16xi32>, vector<16xi32>], vector<16xf32>,
      %add3A_184 = arith.constant 1 : i32
      %add3A_185 = vector.broadcast %add3A_184 : i32 to vector<16xi32>
      %add3A_186 = arith.addi %mul3A_172, %add3A_185 : vector<16xi32>
      tpu.vector_store_idx %arg10[%add3A_166, %add3A_186], %gather3A_183 : memref<16x128xf32, #tpu.memory_space<vmem>>[vector<16xi32>, vector<16xi32>], vector<16xf32>,
      %add3A_187 = arith.constant 2 : i32
      %add3A_188 = vector.broadcast %add3A_187 : i32 to vector<16xi32>
      %add3A_189 = arith.addi %mul3A_160, %add3A_188 : vector<16xi32>
      %gather3A_190 = tpu.vector_load_idx %arg9[%add3A_154, %add3A_189] : memref<128x128xf32, #tpu.memory_space<vmem>>[vector<16xi32>, vector<16xi32>], vector<16xf32>,
      %add3A_191 = arith.constant 2 : i32
      %add3A_192 = vector.broadcast %add3A_191 : i32 to vector<16xi32>
      %add3A_193 = arith.addi %mul3A_172, %add3A_192 : vector<16xi32>
      tpu.vector_store_idx %arg10[%add3A_166, %add3A_193], %gather3A_190 : memref<16x128xf32, #tpu.memory_space<vmem>>[vector<16xi32>, vector<16xi32>], vector<16xf32>,
      %add3A_194 = arith.constant 3 : i32
      %add3A_195 = vector.broadcast %add3A_194 : i32 to vector<16xi32>
      %add3A_196 = arith.addi %mul3A_160, %add3A_195 : vector<16xi32>
      %gather3A_197 = tpu.vector_load_idx %arg9[%add3A_154, %add3A_196] : memref<128x128xf32, #tpu.memory_space<vmem>>[vector<16xi32>, vector<16xi32>], vector<16xf32>,
      %add3A_198 = arith.constant 3 : i32
      %add3A_199 = vector.broadcast %add3A_198 : i32 to vector<16xi32>
      %add3A_200 = arith.addi %mul3A_172, %add3A_199 : vector<16xi32>
      tpu.vector_store_idx %arg10[%add3A_166, %add3A_200], %gather3A_197 : memref<16x128xf32, #tpu.memory_space<vmem>>[vector<16xi32>, vector<16xi32>], vector<16xf32>,
      %add3A_201 = arith.constant 4 : i32
      %add3A_202 = vector.broadcast %add3A_201 : i32 to vector<16xi32>
      %add3A_203 = arith.addi %mul3A_160, %add3A_202 : vector<16xi32>
      %gather3A_204 = tpu.vector_load_idx %arg9[%add3A_154, %add3A_203] : memref<128x128xf32, #tpu.memory_space<vmem>>[vector<16xi32>, vector<16xi32>], vector<16xf32>,
      %add3A_205 = arith.constant 4 : i32
      %add3A_206 = vector.broadcast %add3A_205 : i32 to vector<16xi32>
      %add3A_207 = arith.addi %mul3A_172, %add3A_206 : vector<16xi32>
      tpu.vector_store_idx %arg10[%add3A_166, %add3A_207], %gather3A_204 : memref<16x128xf32, #tpu.memory_space<vmem>>[vector<16xi32>, vector<16xi32>], vector<16xf32>,
      %add3A_208 = arith.constant 5 : i32
      %add3A_209 = vector.broadcast %add3A_208 : i32 to vector<16xi32>
      %add3A_210 = arith.addi %mul3A_160, %add3A_209 : vector<16xi32>
      %gather3A_211 = tpu.vector_load_idx %arg9[%add3A_154, %add3A_210] : memref<128x128xf32, #tpu.memory_space<vmem>>[vector<16xi32>, vector<16xi32>], vector<16xf32>,
      %add3A_212 = arith.constant 5 : i32
      %add3A_213 = vector.broadcast %add3A_212 : i32 to vector<16xi32>
      %add3A_214 = arith.addi %mul3A_172, %add3A_213 : vector<16xi32>
      tpu.vector_store_idx %arg10[%add3A_166, %add3A_214], %gather3A_211 : memref<16x128xf32, #tpu.memory_space<vmem>>[vector<16xi32>, vector<16xi32>], vector<16xf32>,
      %add3A_215 = arith.constant 6 : i32
      %add3A_216 = vector.broadcast %add3A_215 : i32 to vector<16xi32>
      %add3A_217 = arith.addi %mul3A_160, %add3A_216 : vector<16xi32>
      %gather3A_218 = tpu.vector_load_idx %arg9[%add3A_154, %add3A_217] : memref<128x128xf32, #tpu.memory_space<vmem>>[vector<16xi32>, vector<16xi32>], vector<16xf32>,
      %add3A_219 = arith.constant 6 : i32
      %add3A_220 = vector.broadcast %add3A_219 : i32 to vector<16xi32>
      %add3A_221 = arith.addi %mul3A_172, %add3A_220 : vector<16xi32>
      tpu.vector_store_idx %arg10[%add3A_166, %add3A_221], %gather3A_218 : memref<16x128xf32, #tpu.memory_space<vmem>>[vector<16xi32>, vector<16xi32>], vector<16xf32>,
      %add3A_222 = arith.constant 7 : i32
      %add3A_223 = vector.broadcast %add3A_222 : i32 to vector<16xi32>
      %add3A_224 = arith.addi %mul3A_160, %add3A_223 : vector<16xi32>
      %gather3A_225 = tpu.vector_load_idx %arg9[%add3A_154, %add3A_224] : memref<128x128xf32, #tpu.memory_space<vmem>>[vector<16xi32>, vector<16xi32>], vector<16xf32>,
      %add3A_226 = arith.constant 7 : i32
      %add3A_227 = vector.broadcast %add3A_226 : i32 to vector<16xi32>
      %add3A_228 = arith.addi %mul3A_172, %add3A_227 : vector<16xi32>
      tpu.vector_store_idx %arg10[%add3A_166, %add3A_228], %gather3A_225 : memref<16x128xf32, #tpu.memory_space<vmem>>[vector<16xi32>, vector<16xi32>], vector<16xf32>,
      %add3A_229 = arith.constant 8 : i32
      %add3A_230 = vector.broadcast %add3A_229 : i32 to vector<16xi32>
      %add3A_231 = arith.addi %mul3A_160, %add3A_230 : vector<16xi32>
      %gather3A_232 = tpu.vector_load_idx %arg9[%add3A_154, %add3A_231] : memref<128x128xf32, #tpu.memory_space<vmem>>[vector<16xi32>, vector<16xi32>], vector<16xf32>,
      %add3A_233 = arith.constant 8 : i32
      %add3A_234 = vector.broadcast %add3A_233 : i32 to vector<16xi32>
      %add3A_235 = arith.addi %mul3A_172, %add3A_234 : vector<16xi32>
      tpu.vector_store_idx %arg10[%add3A_166, %add3A_235], %gather3A_232 : memref<16x128xf32, #tpu.memory_space<vmem>>[vector<16xi32>, vector<16xi32>], vector<16xf32>,
      %add3A_236 = arith.constant 9 : i32
      %add3A_237 = vector.broadcast %add3A_236 : i32 to vector<16xi32>
      %add3A_238 = arith.addi %mul3A_160, %add3A_237 : vector<16xi32>
      %gather3A_239 = tpu.vector_load_idx %arg9[%add3A_154, %add3A_238] : memref<128x128xf32, #tpu.memory_space<vmem>>[vector<16xi32>, vector<16xi32>], vector<16xf32>,
      %add3A_240 = arith.constant 9 : i32
      %add3A_241 = vector.broadcast %add3A_240 : i32 to vector<16xi32>
      %add3A_242 = arith.addi %mul3A_172, %add3A_241 : vector<16xi32>
      tpu.vector_store_idx %arg10[%add3A_166, %add3A_242], %gather3A_239 : memref<16x128xf32, #tpu.memory_space<vmem>>[vector<16xi32>, vector<16xi32>], vector<16xf32>,
      %add3A_243 = arith.constant 10 : i32
      %add3A_244 = vector.broadcast %add3A_243 : i32 to vector<16xi32>
      %add3A_245 = arith.addi %mul3A_160, %add3A_244 : vector<16xi32>
      %gather3A_246 = tpu.vector_load_idx %arg9[%add3A_154, %add3A_245] : memref<128x128xf32, #tpu.memory_space<vmem>>[vector<16xi32>, vector<16xi32>], vector<16xf32>,
      %add3A_247 = arith.constant 10 : i32
      %add3A_248 = vector.broadcast %add3A_247 : i32 to vector<16xi32>
      %add3A_249 = arith.addi %mul3A_172, %add3A_248 : vector<16xi32>
      tpu.vector_store_idx %arg10[%add3A_166, %add3A_249], %gather3A_246 : memref<16x128xf32, #tpu.memory_space<vmem>>[vector<16xi32>, vector<16xi32>], vector<16xf32>,
      %add3A_250 = arith.constant 11 : i32
      %add3A_251 = vector.broadcast %add3A_250 : i32 to vector<16xi32>
      %add3A_252 = arith.addi %mul3A_160, %add3A_251 : vector<16xi32>
      %gather3A_253 = tpu.vector_load_idx %arg9[%add3A_154, %add3A_252] : memref<128x128xf32, #tpu.memory_space<vmem>>[vector<16xi32>, vector<16xi32>], vector<16xf32>,
      %add3A_254 = arith.constant 11 : i32
      %add3A_255 = vector.broadcast %add3A_254 : i32 to vector<16xi32>
      %add3A_256 = arith.addi %mul3A_172, %add3A_255 : vector<16xi32>
      tpu.vector_store_idx %arg10[%add3A_166, %add3A_256], %gather3A_253 : memref<16x128xf32, #tpu.memory_space<vmem>>[vector<16xi32>, vector<16xi32>], vector<16xf32>,
      %add3A_257 = arith.constant 12 : i32
      %add3A_258 = vector.broadcast %add3A_257 : i32 to vector<16xi32>
      %add3A_259 = arith.addi %mul3A_160, %add3A_258 : vector<16xi32>
      %gather3A_260 = tpu.vector_load_idx %arg9[%add3A_154, %add3A_259] : memref<128x128xf32, #tpu.memory_space<vmem>>[vector<16xi32>, vector<16xi32>], vector<16xf32>,
      %add3A_261 = arith.constant 12 : i32
      %add3A_262 = vector.broadcast %add3A_261 : i32 to vector<16xi32>
      %add3A_263 = arith.addi %mul3A_172, %add3A_262 : vector<16xi32>
      tpu.vector_store_idx %arg10[%add3A_166, %add3A_263], %gather3A_260 : memref<16x128xf32, #tpu.memory_space<vmem>>[vector<16xi32>, vector<16xi32>], vector<16xf32>,
      %add3A_264 = arith.constant 13 : i32
      %add3A_265 = vector.broadcast %add3A_264 : i32 to vector<16xi32>
      %add3A_266 = arith.addi %mul3A_160, %add3A_265 : vector<16xi32>
      %gather3A_267 = tpu.vector_load_idx %arg9[%add3A_154, %add3A_266] : memref<128x128xf32, #tpu.memory_space<vmem>>[vector<16xi32>, vector<16xi32>], vector<16xf32>,
      %add3A_268 = arith.constant 13 : i32
      %add3A_269 = vector.broadcast %add3A_268 : i32 to vector<16xi32>
      %add3A_270 = arith.addi %mul3A_172, %add3A_269 : vector<16xi32>
      tpu.vector_store_idx %arg10[%add3A_166, %add3A_270], %gather3A_267 : memref<16x128xf32, #tpu.memory_space<vmem>>[vector<16xi32>, vector<16xi32>], vector<16xf32>,
      %add3A_271 = arith.constant 14 : i32
      %add3A_272 = vector.broadcast %add3A_271 : i32 to vector<16xi32>
      %add3A_273 = arith.addi %mul3A_160, %add3A_272 : vector<16xi32>
      %gather3A_274 = tpu.vector_load_idx %arg9[%add3A_154, %add3A_273] : memref<128x128xf32, #tpu.memory_space<vmem>>[vector<16xi32>, vector<16xi32>], vector<16xf32>,
      %add3A_275 = arith.constant 14 : i32
      %add3A_276 = vector.broadcast %add3A_275 : i32 to vector<16xi32>
      %add3A_277 = arith.addi %mul3A_172, %add3A_276 : vector<16xi32>
      tpu.vector_store_idx %arg10[%add3A_166, %add3A_277], %gather3A_274 : memref<16x128xf32, #tpu.memory_space<vmem>>[vector<16xi32>, vector<16xi32>], vector<16xf32>,
      %add3A_278 = arith.constant 15 : i32
      %add3A_279 = vector.broadcast %add3A_278 : i32 to vector<16xi32>
      %add3A_280 = arith.addi %mul3A_160, %add3A_279 : vector<16xi32>
      %gather3A_281 = tpu.vector_load_idx %arg9[%add3A_154, %add3A_280] : memref<128x128xf32, #tpu.memory_space<vmem>>[vector<16xi32>, vector<16xi32>], vector<16xf32>,
      %add3A_282 = arith.constant 15 : i32
      %add3A_283 = vector.broadcast %add3A_282 : i32 to vector<16xi32>
      %add3A_284 = arith.addi %mul3A_172, %add3A_283 : vector<16xi32>
      tpu.vector_store_idx %arg10[%add3A_166, %add3A_284], %gather3A_281 : memref<16x128xf32, #tpu.memory_space<vmem>>[vector<16xi32>, vector<16xi32>], vector<16xf32>,
      %add3A_285 = arith.constant 32 : i32
      %add3A_286 = vector.broadcast %add3A_285 : i32 to vector<16xi32>
      %add3A_287 = arith.addi %add3A_286, %iota3A : vector<16xi32>
      %get3A_288 = arith.index_cast %scan3A_12 : i32 to index
      %get3A_289 = arith.constant 32 : index
      %get3A_290 = tpu.vector_load %arg7[%get3A_288, %get3A_289] {strides = array<i32>} : memref<104x128xi32, #tpu.memory_space<vmem>>, vector<16xi32>,
      %mul3A_291 = arith.constant 16 : i32
      %mul3A_292 = vector.broadcast %mul3A_291 : i32 to vector<16xi32>
      %mul3A_293 = arith.muli %get3A_290, %mul3A_292 : vector<16xi32>
      %shift_right_logical3A_294 = arith.constant 3 : i32
      %shift_right_logical3A_295 = vector.broadcast %shift_right_logical3A_294 : i32 to vector<16xi32>
      %shift_right_logical3A_296 = arith.shrui %iota3A, %shift_right_logical3A_295 : vector<16xi32>
      %add3A_297 = arith.constant 4 : i32
      %add3A_298 = vector.broadcast %add3A_297 : i32 to vector<16xi32>
      %add3A_299 = arith.addi %add3A_298, %shift_right_logical3A_296 : vector<16xi32>
      %and3A_300 = arith.constant 7 : i32
      %and3A_301 = vector.broadcast %and3A_300 : i32 to vector<16xi32>
      %and3A_302 = arith.andi %iota3A, %and3A_301 : vector<16xi32>
      %mul3A_303 = arith.constant 16 : i32
      %mul3A_304 = vector.broadcast %mul3A_303 : i32 to vector<16xi32>
      %mul3A_305 = arith.muli %and3A_302, %mul3A_304 : vector<16xi32>
      %add3A_306 = arith.constant 0 : i32
      %add3A_307 = vector.broadcast %add3A_306 : i32 to vector<16xi32>
      %add3A_308 = arith.addi %mul3A_293, %add3A_307 : vector<16xi32>
      %gather3A_309 = tpu.vector_load_idx %arg9[%add3A_287, %add3A_308] : memref<128x128xf32, #tpu.memory_space<vmem>>[vector<16xi32>, vector<16xi32>], vector<16xf32>,
      %add3A_310 = arith.constant 0 : i32
      %add3A_311 = vector.broadcast %add3A_310 : i32 to vector<16xi32>
      %add3A_312 = arith.addi %mul3A_305, %add3A_311 : vector<16xi32>
      tpu.vector_store_idx %arg10[%add3A_299, %add3A_312], %gather3A_309 : memref<16x128xf32, #tpu.memory_space<vmem>>[vector<16xi32>, vector<16xi32>], vector<16xf32>,
      %add3A_313 = arith.constant 1 : i32
      %add3A_314 = vector.broadcast %add3A_313 : i32 to vector<16xi32>
      %add3A_315 = arith.addi %mul3A_293, %add3A_314 : vector<16xi32>
      %gather3A_316 = tpu.vector_load_idx %arg9[%add3A_287, %add3A_315] : memref<128x128xf32, #tpu.memory_space<vmem>>[vector<16xi32>, vector<16xi32>], vector<16xf32>,
      %add3A_317 = arith.constant 1 : i32
      %add3A_318 = vector.broadcast %add3A_317 : i32 to vector<16xi32>
      %add3A_319 = arith.addi %mul3A_305, %add3A_318 : vector<16xi32>
      tpu.vector_store_idx %arg10[%add3A_299, %add3A_319], %gather3A_316 : memref<16x128xf32, #tpu.memory_space<vmem>>[vector<16xi32>, vector<16xi32>], vector<16xf32>,
      %add3A_320 = arith.constant 2 : i32
      %add3A_321 = vector.broadcast %add3A_320 : i32 to vector<16xi32>
      %add3A_322 = arith.addi %mul3A_293, %add3A_321 : vector<16xi32>
      %gather3A_323 = tpu.vector_load_idx %arg9[%add3A_287, %add3A_322] : memref<128x128xf32, #tpu.memory_space<vmem>>[vector<16xi32>, vector<16xi32>], vector<16xf32>,
      %add3A_324 = arith.constant 2 : i32
      %add3A_325 = vector.broadcast %add3A_324 : i32 to vector<16xi32>
      %add3A_326 = arith.addi %mul3A_305, %add3A_325 : vector<16xi32>
      tpu.vector_store_idx %arg10[%add3A_299, %add3A_326], %gather3A_323 : memref<16x128xf32, #tpu.memory_space<vmem>>[vector<16xi32>, vector<16xi32>], vector<16xf32>,
      %add3A_327 = arith.constant 3 : i32
      %add3A_328 = vector.broadcast %add3A_327 : i32 to vector<16xi32>
      %add3A_329 = arith.addi %mul3A_293, %add3A_328 : vector<16xi32>
      %gather3A_330 = tpu.vector_load_idx %arg9[%add3A_287, %add3A_329] : memref<128x128xf32, #tpu.memory_space<vmem>>[vector<16xi32>, vector<16xi32>], vector<16xf32>,
      %add3A_331 = arith.constant 3 : i32
      %add3A_332 = vector.broadcast %add3A_331 : i32 to vector<16xi32>
      %add3A_333 = arith.addi %mul3A_305, %add3A_332 : vector<16xi32>
      tpu.vector_store_idx %arg10[%add3A_299, %add3A_333], %gather3A_330 : memref<16x128xf32, #tpu.memory_space<vmem>>[vector<16xi32>, vector<16xi32>], vector<16xf32>,
      %add3A_334 = arith.constant 4 : i32
      %add3A_335 = vector.broadcast %add3A_334 : i32 to vector<16xi32>
      %add3A_336 = arith.addi %mul3A_293, %add3A_335 : vector<16xi32>
      %gather3A_337 = tpu.vector_load_idx %arg9[%add3A_287, %add3A_336] : memref<128x128xf32, #tpu.memory_space<vmem>>[vector<16xi32>, vector<16xi32>], vector<16xf32>,
      %add3A_338 = arith.constant 4 : i32
      %add3A_339 = vector.broadcast %add3A_338 : i32 to vector<16xi32>
      %add3A_340 = arith.addi %mul3A_305, %add3A_339 : vector<16xi32>
      tpu.vector_store_idx %arg10[%add3A_299, %add3A_340], %gather3A_337 : memref<16x128xf32, #tpu.memory_space<vmem>>[vector<16xi32>, vector<16xi32>], vector<16xf32>,
      %add3A_341 = arith.constant 5 : i32
      %add3A_342 = vector.broadcast %add3A_341 : i32 to vector<16xi32>
      %add3A_343 = arith.addi %mul3A_293, %add3A_342 : vector<16xi32>
      %gather3A_344 = tpu.vector_load_idx %arg9[%add3A_287, %add3A_343] : memref<128x128xf32, #tpu.memory_space<vmem>>[vector<16xi32>, vector<16xi32>], vector<16xf32>,
      %add3A_345 = arith.constant 5 : i32
      %add3A_346 = vector.broadcast %add3A_345 : i32 to vector<16xi32>
      %add3A_347 = arith.addi %mul3A_305, %add3A_346 : vector<16xi32>
      tpu.vector_store_idx %arg10[%add3A_299, %add3A_347], %gather3A_344 : memref<16x128xf32, #tpu.memory_space<vmem>>[vector<16xi32>, vector<16xi32>], vector<16xf32>,
      %add3A_348 = arith.constant 6 : i32
      %add3A_349 = vector.broadcast %add3A_348 : i32 to vector<16xi32>
      %add3A_350 = arith.addi %mul3A_293, %add3A_349 : vector<16xi32>
      %gather3A_351 = tpu.vector_load_idx %arg9[%add3A_287, %add3A_350] : memref<128x128xf32, #tpu.memory_space<vmem>>[vector<16xi32>, vector<16xi32>], vector<16xf32>,
      %add3A_352 = arith.constant 6 : i32
      %add3A_353 = vector.broadcast %add3A_352 : i32 to vector<16xi32>
      %add3A_354 = arith.addi %mul3A_305, %add3A_353 : vector<16xi32>
      tpu.vector_store_idx %arg10[%add3A_299, %add3A_354], %gather3A_351 : memref<16x128xf32, #tpu.memory_space<vmem>>[vector<16xi32>, vector<16xi32>], vector<16xf32>,
      %add3A_355 = arith.constant 7 : i32
      %add3A_356 = vector.broadcast %add3A_355 : i32 to vector<16xi32>
      %add3A_357 = arith.addi %mul3A_293, %add3A_356 : vector<16xi32>
      %gather3A_358 = tpu.vector_load_idx %arg9[%add3A_287, %add3A_357] : memref<128x128xf32, #tpu.memory_space<vmem>>[vector<16xi32>, vector<16xi32>], vector<16xf32>,
      %add3A_359 = arith.constant 7 : i32
      %add3A_360 = vector.broadcast %add3A_359 : i32 to vector<16xi32>
      %add3A_361 = arith.addi %mul3A_305, %add3A_360 : vector<16xi32>
      tpu.vector_store_idx %arg10[%add3A_299, %add3A_361], %gather3A_358 : memref<16x128xf32, #tpu.memory_space<vmem>>[vector<16xi32>, vector<16xi32>], vector<16xf32>,
      %add3A_362 = arith.constant 8 : i32
      %add3A_363 = vector.broadcast %add3A_362 : i32 to vector<16xi32>
      %add3A_364 = arith.addi %mul3A_293, %add3A_363 : vector<16xi32>
      %gather3A_365 = tpu.vector_load_idx %arg9[%add3A_287, %add3A_364] : memref<128x128xf32, #tpu.memory_space<vmem>>[vector<16xi32>, vector<16xi32>], vector<16xf32>,
      %add3A_366 = arith.constant 8 : i32
      %add3A_367 = vector.broadcast %add3A_366 : i32 to vector<16xi32>
      %add3A_368 = arith.addi %mul3A_305, %add3A_367 : vector<16xi32>
      tpu.vector_store_idx %arg10[%add3A_299, %add3A_368], %gather3A_365 : memref<16x128xf32, #tpu.memory_space<vmem>>[vector<16xi32>, vector<16xi32>], vector<16xf32>,
      %add3A_369 = arith.constant 9 : i32
      %add3A_370 = vector.broadcast %add3A_369 : i32 to vector<16xi32>
      %add3A_371 = arith.addi %mul3A_293, %add3A_370 : vector<16xi32>
      %gather3A_372 = tpu.vector_load_idx %arg9[%add3A_287, %add3A_371] : memref<128x128xf32, #tpu.memory_space<vmem>>[vector<16xi32>, vector<16xi32>], vector<16xf32>,
      %add3A_373 = arith.constant 9 : i32
      %add3A_374 = vector.broadcast %add3A_373 : i32 to vector<16xi32>
      %add3A_375 = arith.addi %mul3A_305, %add3A_374 : vector<16xi32>
      tpu.vector_store_idx %arg10[%add3A_299, %add3A_375], %gather3A_372 : memref<16x128xf32, #tpu.memory_space<vmem>>[vector<16xi32>, vector<16xi32>], vector<16xf32>,
      %add3A_376 = arith.constant 10 : i32
      %add3A_377 = vector.broadcast %add3A_376 : i32 to vector<16xi32>
      %add3A_378 = arith.addi %mul3A_293, %add3A_377 : vector<16xi32>
      %gather3A_379 = tpu.vector_load_idx %arg9[%add3A_287, %add3A_378] : memref<128x128xf32, #tpu.memory_space<vmem>>[vector<16xi32>, vector<16xi32>], vector<16xf32>,
      %add3A_380 = arith.constant 10 : i32
      %add3A_381 = vector.broadcast %add3A_380 : i32 to vector<16xi32>
      %add3A_382 = arith.addi %mul3A_305, %add3A_381 : vector<16xi32>
      tpu.vector_store_idx %arg10[%add3A_299, %add3A_382], %gather3A_379 : memref<16x128xf32, #tpu.memory_space<vmem>>[vector<16xi32>, vector<16xi32>], vector<16xf32>,
      %add3A_383 = arith.constant 11 : i32
      %add3A_384 = vector.broadcast %add3A_383 : i32 to vector<16xi32>
      %add3A_385 = arith.addi %mul3A_293, %add3A_384 : vector<16xi32>
      %gather3A_386 = tpu.vector_load_idx %arg9[%add3A_287, %add3A_385] : memref<128x128xf32, #tpu.memory_space<vmem>>[vector<16xi32>, vector<16xi32>], vector<16xf32>,
      %add3A_387 = arith.constant 11 : i32
      %add3A_388 = vector.broadcast %add3A_387 : i32 to vector<16xi32>
      %add3A_389 = arith.addi %mul3A_305, %add3A_388 : vector<16xi32>
      tpu.vector_store_idx %arg10[%add3A_299, %add3A_389], %gather3A_386 : memref<16x128xf32, #tpu.memory_space<vmem>>[vector<16xi32>, vector<16xi32>], vector<16xf32>,
      %add3A_390 = arith.constant 12 : i32
      %add3A_391 = vector.broadcast %add3A_390 : i32 to vector<16xi32>
      %add3A_392 = arith.addi %mul3A_293, %add3A_391 : vector<16xi32>
      %gather3A_393 = tpu.vector_load_idx %arg9[%add3A_287, %add3A_392] : memref<128x128xf32, #tpu.memory_space<vmem>>[vector<16xi32>, vector<16xi32>], vector<16xf32>,
      %add3A_394 = arith.constant 12 : i32
      %add3A_395 = vector.broadcast %add3A_394 : i32 to vector<16xi32>
      %add3A_396 = arith.addi %mul3A_305, %add3A_395 : vector<16xi32>
      tpu.vector_store_idx %arg10[%add3A_299, %add3A_396], %gather3A_393 : memref<16x128xf32, #tpu.memory_space<vmem>>[vector<16xi32>, vector<16xi32>], vector<16xf32>,
      %add3A_397 = arith.constant 13 : i32
      %add3A_398 = vector.broadcast %add3A_397 : i32 to vector<16xi32>
      %add3A_399 = arith.addi %mul3A_293, %add3A_398 : vector<16xi32>
      %gather3A_400 = tpu.vector_load_idx %arg9[%add3A_287, %add3A_399] : memref<128x128xf32, #tpu.memory_space<vmem>>[vector<16xi32>, vector<16xi32>], vector<16xf32>,
      %add3A_401 = arith.constant 13 : i32
      %add3A_402 = vector.broadcast %add3A_401 : i32 to vector<16xi32>
      %add3A_403 = arith.addi %mul3A_305, %add3A_402 : vector<16xi32>
      tpu.vector_store_idx %arg10[%add3A_299, %add3A_403], %gather3A_400 : memref<16x128xf32, #tpu.memory_space<vmem>>[vector<16xi32>, vector<16xi32>], vector<16xf32>,
      %add3A_404 = arith.constant 14 : i32
      %add3A_405 = vector.broadcast %add3A_404 : i32 to vector<16xi32>
      %add3A_406 = arith.addi %mul3A_293, %add3A_405 : vector<16xi32>
      %gather3A_407 = tpu.vector_load_idx %arg9[%add3A_287, %add3A_406] : memref<128x128xf32, #tpu.memory_space<vmem>>[vector<16xi32>, vector<16xi32>], vector<16xf32>,
      %add3A_408 = arith.constant 14 : i32
      %add3A_409 = vector.broadcast %add3A_408 : i32 to vector<16xi32>
      %add3A_410 = arith.addi %mul3A_305, %add3A_409 : vector<16xi32>
      tpu.vector_store_idx %arg10[%add3A_299, %add3A_410], %gather3A_407 : memref<16x128xf32, #tpu.memory_space<vmem>>[vector<16xi32>, vector<16xi32>], vector<16xf32>,
      %add3A_411 = arith.constant 15 : i32
      %add3A_412 = vector.broadcast %add3A_411 : i32 to vector<16xi32>
      %add3A_413 = arith.addi %mul3A_293, %add3A_412 : vector<16xi32>
      %gather3A_414 = tpu.vector_load_idx %arg9[%add3A_287, %add3A_413] : memref<128x128xf32, #tpu.memory_space<vmem>>[vector<16xi32>, vector<16xi32>], vector<16xf32>,
      %add3A_415 = arith.constant 15 : i32
      %add3A_416 = vector.broadcast %add3A_415 : i32 to vector<16xi32>
      %add3A_417 = arith.addi %mul3A_305, %add3A_416 : vector<16xi32>
      tpu.vector_store_idx %arg10[%add3A_299, %add3A_417], %gather3A_414 : memref<16x128xf32, #tpu.memory_space<vmem>>[vector<16xi32>, vector<16xi32>], vector<16xf32>,
      %add3A_418 = arith.constant 48 : i32
      %add3A_419 = vector.broadcast %add3A_418 : i32 to vector<16xi32>
      %add3A_420 = arith.addi %add3A_419, %iota3A : vector<16xi32>
      %get3A_421 = arith.index_cast %scan3A_12 : i32 to index
      %get3A_422 = arith.constant 48 : index
      %get3A_423 = tpu.vector_load %arg7[%get3A_421, %get3A_422] {strides = array<i32>} : memref<104x128xi32, #tpu.memory_space<vmem>>, vector<16xi32>,
      %mul3A_424 = arith.constant 16 : i32
      %mul3A_425 = vector.broadcast %mul3A_424 : i32 to vector<16xi32>
      %mul3A_426 = arith.muli %get3A_423, %mul3A_425 : vector<16xi32>
      %shift_right_logical3A_427 = arith.constant 3 : i32
      %shift_right_logical3A_428 = vector.broadcast %shift_right_logical3A_427 : i32 to vector<16xi32>
      %shift_right_logical3A_429 = arith.shrui %iota3A, %shift_right_logical3A_428 : vector<16xi32>
      %add3A_430 = arith.constant 6 : i32
      %add3A_431 = vector.broadcast %add3A_430 : i32 to vector<16xi32>
      %add3A_432 = arith.addi %add3A_431, %shift_right_logical3A_429 : vector<16xi32>
      %and3A_433 = arith.constant 7 : i32
      %and3A_434 = vector.broadcast %and3A_433 : i32 to vector<16xi32>
      %and3A_435 = arith.andi %iota3A, %and3A_434 : vector<16xi32>
      %mul3A_436 = arith.constant 16 : i32
      %mul3A_437 = vector.broadcast %mul3A_436 : i32 to vector<16xi32>
      %mul3A_438 = arith.muli %and3A_435, %mul3A_437 : vector<16xi32>
      %add3A_439 = arith.constant 0 : i32
      %add3A_440 = vector.broadcast %add3A_439 : i32 to vector<16xi32>
      %add3A_441 = arith.addi %mul3A_426, %add3A_440 : vector<16xi32>
      %gather3A_442 = tpu.vector_load_idx %arg9[%add3A_420, %add3A_441] : memref<128x128xf32, #tpu.memory_space<vmem>>[vector<16xi32>, vector<16xi32>], vector<16xf32>,
      %add3A_443 = arith.constant 0 : i32
      %add3A_444 = vector.broadcast %add3A_443 : i32 to vector<16xi32>
      %add3A_445 = arith.addi %mul3A_438, %add3A_444 : vector<16xi32>
      tpu.vector_store_idx %arg10[%add3A_432, %add3A_445], %gather3A_442 : memref<16x128xf32, #tpu.memory_space<vmem>>[vector<16xi32>, vector<16xi32>], vector<16xf32>,
      %add3A_446 = arith.constant 1 : i32
      %add3A_447 = vector.broadcast %add3A_446 : i32 to vector<16xi32>
      %add3A_448 = arith.addi %mul3A_426, %add3A_447 : vector<16xi32>
      %gather3A_449 = tpu.vector_load_idx %arg9[%add3A_420, %add3A_448] : memref<128x128xf32, #tpu.memory_space<vmem>>[vector<16xi32>, vector<16xi32>], vector<16xf32>,
      %add3A_450 = arith.constant 1 : i32
      %add3A_451 = vector.broadcast %add3A_450 : i32 to vector<16xi32>
      %add3A_452 = arith.addi %mul3A_438, %add3A_451 : vector<16xi32>
      tpu.vector_store_idx %arg10[%add3A_432, %add3A_452], %gather3A_449 : memref<16x128xf32, #tpu.memory_space<vmem>>[vector<16xi32>, vector<16xi32>], vector<16xf32>,
      %add3A_453 = arith.constant 2 : i32
      %add3A_454 = vector.broadcast %add3A_453 : i32 to vector<16xi32>
      %add3A_455 = arith.addi %mul3A_426, %add3A_454 : vector<16xi32>
      %gather3A_456 = tpu.vector_load_idx %arg9[%add3A_420, %add3A_455] : memref<128x128xf32, #tpu.memory_space<vmem>>[vector<16xi32>, vector<16xi32>], vector<16xf32>,
      %add3A_457 = arith.constant 2 : i32
      %add3A_458 = vector.broadcast %add3A_457 : i32 to vector<16xi32>
      %add3A_459 = arith.addi %mul3A_438, %add3A_458 : vector<16xi32>
      tpu.vector_store_idx %arg10[%add3A_432, %add3A_459], %gather3A_456 : memref<16x128xf32, #tpu.memory_space<vmem>>[vector<16xi32>, vector<16xi32>], vector<16xf32>,
      %add3A_460 = arith.constant 3 : i32
      %add3A_461 = vector.broadcast %add3A_460 : i32 to vector<16xi32>
      %add3A_462 = arith.addi %mul3A_426, %add3A_461 : vector<16xi32>
      %gather3A_463 = tpu.vector_load_idx %arg9[%add3A_420, %add3A_462] : memref<128x128xf32, #tpu.memory_space<vmem>>[vector<16xi32>, vector<16xi32>], vector<16xf32>,
      %add3A_464 = arith.constant 3 : i32
      %add3A_465 = vector.broadcast %add3A_464 : i32 to vector<16xi32>
      %add3A_466 = arith.addi %mul3A_438, %add3A_465 : vector<16xi32>
      tpu.vector_store_idx %arg10[%add3A_432, %add3A_466], %gather3A_463 : memref<16x128xf32, #tpu.memory_space<vmem>>[vector<16xi32>, vector<16xi32>], vector<16xf32>,
      %add3A_467 = arith.constant 4 : i32
      %add3A_468 = vector.broadcast %add3A_467 : i32 to vector<16xi32>
      %add3A_469 = arith.addi %mul3A_426, %add3A_468 : vector<16xi32>
      %gather3A_470 = tpu.vector_load_idx %arg9[%add3A_420, %add3A_469] : memref<128x128xf32, #tpu.memory_space<vmem>>[vector<16xi32>, vector<16xi32>], vector<16xf32>,
      %add3A_471 = arith.constant 4 : i32
      %add3A_472 = vector.broadcast %add3A_471 : i32 to vector<16xi32>
      %add3A_473 = arith.addi %mul3A_438, %add3A_472 : vector<16xi32>
      tpu.vector_store_idx %arg10[%add3A_432, %add3A_473], %gather3A_470 : memref<16x128xf32, #tpu.memory_space<vmem>>[vector<16xi32>, vector<16xi32>], vector<16xf32>,
      %add3A_474 = arith.constant 5 : i32
      %add3A_475 = vector.broadcast %add3A_474 : i32 to vector<16xi32>
      %add3A_476 = arith.addi %mul3A_426, %add3A_475 : vector<16xi32>
      %gather3A_477 = tpu.vector_load_idx %arg9[%add3A_420, %add3A_476] : memref<128x128xf32, #tpu.memory_space<vmem>>[vector<16xi32>, vector<16xi32>], vector<16xf32>,
      %add3A_478 = arith.constant 5 : i32
      %add3A_479 = vector.broadcast %add3A_478 : i32 to vector<16xi32>
      %add3A_480 = arith.addi %mul3A_438, %add3A_479 : vector<16xi32>
      tpu.vector_store_idx %arg10[%add3A_432, %add3A_480], %gather3A_477 : memref<16x128xf32, #tpu.memory_space<vmem>>[vector<16xi32>, vector<16xi32>], vector<16xf32>,
      %add3A_481 = arith.constant 6 : i32
      %add3A_482 = vector.broadcast %add3A_481 : i32 to vector<16xi32>
      %add3A_483 = arith.addi %mul3A_426, %add3A_482 : vector<16xi32>
      %gather3A_484 = tpu.vector_load_idx %arg9[%add3A_420, %add3A_483] : memref<128x128xf32, #tpu.memory_space<vmem>>[vector<16xi32>, vector<16xi32>], vector<16xf32>,
      %add3A_485 = arith.constant 6 : i32
      %add3A_486 = vector.broadcast %add3A_485 : i32 to vector<16xi32>
      %add3A_487 = arith.addi %mul3A_438, %add3A_486 : vector<16xi32>
      tpu.vector_store_idx %arg10[%add3A_432, %add3A_487], %gather3A_484 : memref<16x128xf32, #tpu.memory_space<vmem>>[vector<16xi32>, vector<16xi32>], vector<16xf32>,
      %add3A_488 = arith.constant 7 : i32
      %add3A_489 = vector.broadcast %add3A_488 : i32 to vector<16xi32>
      %add3A_490 = arith.addi %mul3A_426, %add3A_489 : vector<16xi32>
      %gather3A_491 = tpu.vector_load_idx %arg9[%add3A_420, %add3A_490] : memref<128x128xf32, #tpu.memory_space<vmem>>[vector<16xi32>, vector<16xi32>], vector<16xf32>,
      %add3A_492 = arith.constant 7 : i32
      %add3A_493 = vector.broadcast %add3A_492 : i32 to vector<16xi32>
      %add3A_494 = arith.addi %mul3A_438, %add3A_493 : vector<16xi32>
      tpu.vector_store_idx %arg10[%add3A_432, %add3A_494], %gather3A_491 : memref<16x128xf32, #tpu.memory_space<vmem>>[vector<16xi32>, vector<16xi32>], vector<16xf32>,
      %add3A_495 = arith.constant 8 : i32
      %add3A_496 = vector.broadcast %add3A_495 : i32 to vector<16xi32>
      %add3A_497 = arith.addi %mul3A_426, %add3A_496 : vector<16xi32>
      %gather3A_498 = tpu.vector_load_idx %arg9[%add3A_420, %add3A_497] : memref<128x128xf32, #tpu.memory_space<vmem>>[vector<16xi32>, vector<16xi32>], vector<16xf32>,
      %add3A_499 = arith.constant 8 : i32
      %add3A_500 = vector.broadcast %add3A_499 : i32 to vector<16xi32>
      %add3A_501 = arith.addi %mul3A_438, %add3A_500 : vector<16xi32>
      tpu.vector_store_idx %arg10[%add3A_432, %add3A_501], %gather3A_498 : memref<16x128xf32, #tpu.memory_space<vmem>>[vector<16xi32>, vector<16xi32>], vector<16xf32>,
      %add3A_502 = arith.constant 9 : i32
      %add3A_503 = vector.broadcast %add3A_502 : i32 to vector<16xi32>
      %add3A_504 = arith.addi %mul3A_426, %add3A_503 : vector<16xi32>
      %gather3A_505 = tpu.vector_load_idx %arg9[%add3A_420, %add3A_504] : memref<128x128xf32, #tpu.memory_space<vmem>>[vector<16xi32>, vector<16xi32>], vector<16xf32>,
      %add3A_506 = arith.constant 9 : i32
      %add3A_507 = vector.broadcast %add3A_506 : i32 to vector<16xi32>
      %add3A_508 = arith.addi %mul3A_438, %add3A_507 : vector<16xi32>
      tpu.vector_store_idx %arg10[%add3A_432, %add3A_508], %gather3A_505 : memref<16x128xf32, #tpu.memory_space<vmem>>[vector<16xi32>, vector<16xi32>], vector<16xf32>,
      %add3A_509 = arith.constant 10 : i32
      %add3A_510 = vector.broadcast %add3A_509 : i32 to vector<16xi32>
      %add3A_511 = arith.addi %mul3A_426, %add3A_510 : vector<16xi32>
      %gather3A_512 = tpu.vector_load_idx %arg9[%add3A_420, %add3A_511] : memref<128x128xf32, #tpu.memory_space<vmem>>[vector<16xi32>, vector<16xi32>], vector<16xf32>,
      %add3A_513 = arith.constant 10 : i32
      %add3A_514 = vector.broadcast %add3A_513 : i32 to vector<16xi32>
      %add3A_515 = arith.addi %mul3A_438, %add3A_514 : vector<16xi32>
      tpu.vector_store_idx %arg10[%add3A_432, %add3A_515], %gather3A_512 : memref<16x128xf32, #tpu.memory_space<vmem>>[vector<16xi32>, vector<16xi32>], vector<16xf32>,
      %add3A_516 = arith.constant 11 : i32
      %add3A_517 = vector.broadcast %add3A_516 : i32 to vector<16xi32>
      %add3A_518 = arith.addi %mul3A_426, %add3A_517 : vector<16xi32>
      %gather3A_519 = tpu.vector_load_idx %arg9[%add3A_420, %add3A_518] : memref<128x128xf32, #tpu.memory_space<vmem>>[vector<16xi32>, vector<16xi32>], vector<16xf32>,
      %add3A_520 = arith.constant 11 : i32
      %add3A_521 = vector.broadcast %add3A_520 : i32 to vector<16xi32>
      %add3A_522 = arith.addi %mul3A_438, %add3A_521 : vector<16xi32>
      tpu.vector_store_idx %arg10[%add3A_432, %add3A_522], %gather3A_519 : memref<16x128xf32, #tpu.memory_space<vmem>>[vector<16xi32>, vector<16xi32>], vector<16xf32>,
      %add3A_523 = arith.constant 12 : i32
      %add3A_524 = vector.broadcast %add3A_523 : i32 to vector<16xi32>
      %add3A_525 = arith.addi %mul3A_426, %add3A_524 : vector<16xi32>
      %gather3A_526 = tpu.vector_load_idx %arg9[%add3A_420, %add3A_525] : memref<128x128xf32, #tpu.memory_space<vmem>>[vector<16xi32>, vector<16xi32>], vector<16xf32>,
      %add3A_527 = arith.constant 12 : i32
      %add3A_528 = vector.broadcast %add3A_527 : i32 to vector<16xi32>
      %add3A_529 = arith.addi %mul3A_438, %add3A_528 : vector<16xi32>
      tpu.vector_store_idx %arg10[%add3A_432, %add3A_529], %gather3A_526 : memref<16x128xf32, #tpu.memory_space<vmem>>[vector<16xi32>, vector<16xi32>], vector<16xf32>,
      %add3A_530 = arith.constant 13 : i32
      %add3A_531 = vector.broadcast %add3A_530 : i32 to vector<16xi32>
      %add3A_532 = arith.addi %mul3A_426, %add3A_531 : vector<16xi32>
      %gather3A_533 = tpu.vector_load_idx %arg9[%add3A_420, %add3A_532] : memref<128x128xf32, #tpu.memory_space<vmem>>[vector<16xi32>, vector<16xi32>], vector<16xf32>,
      %add3A_534 = arith.constant 13 : i32
      %add3A_535 = vector.broadcast %add3A_534 : i32 to vector<16xi32>
      %add3A_536 = arith.addi %mul3A_438, %add3A_535 : vector<16xi32>
      tpu.vector_store_idx %arg10[%add3A_432, %add3A_536], %gather3A_533 : memref<16x128xf32, #tpu.memory_space<vmem>>[vector<16xi32>, vector<16xi32>], vector<16xf32>,
      %add3A_537 = arith.constant 14 : i32
      %add3A_538 = vector.broadcast %add3A_537 : i32 to vector<16xi32>
      %add3A_539 = arith.addi %mul3A_426, %add3A_538 : vector<16xi32>
      %gather3A_540 = tpu.vector_load_idx %arg9[%add3A_420, %add3A_539] : memref<128x128xf32, #tpu.memory_space<vmem>>[vector<16xi32>, vector<16xi32>], vector<16xf32>,
      %add3A_541 = arith.constant 14 : i32
      %add3A_542 = vector.broadcast %add3A_541 : i32 to vector<16xi32>
      %add3A_543 = arith.addi %mul3A_438, %add3A_542 : vector<16xi32>
      tpu.vector_store_idx %arg10[%add3A_432, %add3A_543], %gather3A_540 : memref<16x128xf32, #tpu.memory_space<vmem>>[vector<16xi32>, vector<16xi32>], vector<16xf32>,
      %add3A_544 = arith.constant 15 : i32
      %add3A_545 = vector.broadcast %add3A_544 : i32 to vector<16xi32>
      %add3A_546 = arith.addi %mul3A_426, %add3A_545 : vector<16xi32>
      %gather3A_547 = tpu.vector_load_idx %arg9[%add3A_420, %add3A_546] : memref<128x128xf32, #tpu.memory_space<vmem>>[vector<16xi32>, vector<16xi32>], vector<16xf32>,
      %add3A_548 = arith.constant 15 : i32
      %add3A_549 = vector.broadcast %add3A_548 : i32 to vector<16xi32>
      %add3A_550 = arith.addi %mul3A_438, %add3A_549 : vector<16xi32>
      tpu.vector_store_idx %arg10[%add3A_432, %add3A_550], %gather3A_547 : memref<16x128xf32, #tpu.memory_space<vmem>>[vector<16xi32>, vector<16xi32>], vector<16xf32>,
      %add3A_551 = arith.constant 64 : i32
      %add3A_552 = vector.broadcast %add3A_551 : i32 to vector<16xi32>
      %add3A_553 = arith.addi %add3A_552, %iota3A : vector<16xi32>
      %get3A_554 = arith.index_cast %scan3A_12 : i32 to index
      %get3A_555 = arith.constant 64 : index
      %get3A_556 = tpu.vector_load %arg7[%get3A_554, %get3A_555] {strides = array<i32>} : memref<104x128xi32, #tpu.memory_space<vmem>>, vector<16xi32>,
      %mul3A_557 = arith.constant 16 : i32
      %mul3A_558 = vector.broadcast %mul3A_557 : i32 to vector<16xi32>
      %mul3A_559 = arith.muli %get3A_556, %mul3A_558 : vector<16xi32>
      %shift_right_logical3A_560 = arith.constant 3 : i32
      %shift_right_logical3A_561 = vector.broadcast %shift_right_logical3A_560 : i32 to vector<16xi32>
      %shift_right_logical3A_562 = arith.shrui %iota3A, %shift_right_logical3A_561 : vector<16xi32>
      %add3A_563 = arith.constant 8 : i32
      %add3A_564 = vector.broadcast %add3A_563 : i32 to vector<16xi32>
      %add3A_565 = arith.addi %add3A_564, %shift_right_logical3A_562 : vector<16xi32>
      %and3A_566 = arith.constant 7 : i32
      %and3A_567 = vector.broadcast %and3A_566 : i32 to vector<16xi32>
      %and3A_568 = arith.andi %iota3A, %and3A_567 : vector<16xi32>
      %mul3A_569 = arith.constant 16 : i32
      %mul3A_570 = vector.broadcast %mul3A_569 : i32 to vector<16xi32>
      %mul3A_571 = arith.muli %and3A_568, %mul3A_570 : vector<16xi32>
      %add3A_572 = arith.constant 0 : i32
      %add3A_573 = vector.broadcast %add3A_572 : i32 to vector<16xi32>
      %add3A_574 = arith.addi %mul3A_559, %add3A_573 : vector<16xi32>
      %gather3A_575 = tpu.vector_load_idx %arg9[%add3A_553, %add3A_574] : memref<128x128xf32, #tpu.memory_space<vmem>>[vector<16xi32>, vector<16xi32>], vector<16xf32>,
      %add3A_576 = arith.constant 0 : i32
      %add3A_577 = vector.broadcast %add3A_576 : i32 to vector<16xi32>
      %add3A_578 = arith.addi %mul3A_571, %add3A_577 : vector<16xi32>
      tpu.vector_store_idx %arg10[%add3A_565, %add3A_578], %gather3A_575 : memref<16x128xf32, #tpu.memory_space<vmem>>[vector<16xi32>, vector<16xi32>], vector<16xf32>,
      %add3A_579 = arith.constant 1 : i32
      %add3A_580 = vector.broadcast %add3A_579 : i32 to vector<16xi32>
      %add3A_581 = arith.addi %mul3A_559, %add3A_580 : vector<16xi32>
      %gather3A_582 = tpu.vector_load_idx %arg9[%add3A_553, %add3A_581] : memref<128x128xf32, #tpu.memory_space<vmem>>[vector<16xi32>, vector<16xi32>], vector<16xf32>,
      %add3A_583 = arith.constant 1 : i32
      %add3A_584 = vector.broadcast %add3A_583 : i32 to vector<16xi32>
      %add3A_585 = arith.addi %mul3A_571, %add3A_584 : vector<16xi32>
      tpu.vector_store_idx %arg10[%add3A_565, %add3A_585], %gather3A_582 : memref<16x128xf32, #tpu.memory_space<vmem>>[vector<16xi32>, vector<16xi32>], vector<16xf32>,
      %add3A_586 = arith.constant 2 : i32
      %add3A_587 = vector.broadcast %add3A_586 : i32 to vector<16xi32>
      %add3A_588 = arith.addi %mul3A_559, %add3A_587 : vector<16xi32>
      %gather3A_589 = tpu.vector_load_idx %arg9[%add3A_553, %add3A_588] : memref<128x128xf32, #tpu.memory_space<vmem>>[vector<16xi32>, vector<16xi32>], vector<16xf32>,
      %add3A_590 = arith.constant 2 : i32
      %add3A_591 = vector.broadcast %add3A_590 : i32 to vector<16xi32>
      %add3A_592 = arith.addi %mul3A_571, %add3A_591 : vector<16xi32>
      tpu.vector_store_idx %arg10[%add3A_565, %add3A_592], %gather3A_589 : memref<16x128xf32, #tpu.memory_space<vmem>>[vector<16xi32>, vector<16xi32>], vector<16xf32>,
      %add3A_593 = arith.constant 3 : i32
      %add3A_594 = vector.broadcast %add3A_593 : i32 to vector<16xi32>
      %add3A_595 = arith.addi %mul3A_559, %add3A_594 : vector<16xi32>
      %gather3A_596 = tpu.vector_load_idx %arg9[%add3A_553, %add3A_595] : memref<128x128xf32, #tpu.memory_space<vmem>>[vector<16xi32>, vector<16xi32>], vector<16xf32>,
      %add3A_597 = arith.constant 3 : i32
      %add3A_598 = vector.broadcast %add3A_597 : i32 to vector<16xi32>
      %add3A_599 = arith.addi %mul3A_571, %add3A_598 : vector<16xi32>
      tpu.vector_store_idx %arg10[%add3A_565, %add3A_599], %gather3A_596 : memref<16x128xf32, #tpu.memory_space<vmem>>[vector<16xi32>, vector<16xi32>], vector<16xf32>,
      %add3A_600 = arith.constant 4 : i32
      %add3A_601 = vector.broadcast %add3A_600 : i32 to vector<16xi32>
      %add3A_602 = arith.addi %mul3A_559, %add3A_601 : vector<16xi32>
      %gather3A_603 = tpu.vector_load_idx %arg9[%add3A_553, %add3A_602] : memref<128x128xf32, #tpu.memory_space<vmem>>[vector<16xi32>, vector<16xi32>], vector<16xf32>,
      %add3A_604 = arith.constant 4 : i32
      %add3A_605 = vector.broadcast %add3A_604 : i32 to vector<16xi32>
      %add3A_606 = arith.addi %mul3A_571, %add3A_605 : vector<16xi32>
      tpu.vector_store_idx %arg10[%add3A_565, %add3A_606], %gather3A_603 : memref<16x128xf32, #tpu.memory_space<vmem>>[vector<16xi32>, vector<16xi32>], vector<16xf32>,
      %add3A_607 = arith.constant 5 : i32
      %add3A_608 = vector.broadcast %add3A_607 : i32 to vector<16xi32>
      %add3A_609 = arith.addi %mul3A_559, %add3A_608 : vector<16xi32>
      %gather3A_610 = tpu.vector_load_idx %arg9[%add3A_553, %add3A_609] : memref<128x128xf32, #tpu.memory_space<vmem>>[vector<16xi32>, vector<16xi32>], vector<16xf32>,
      %add3A_611 = arith.constant 5 : i32
      %add3A_612 = vector.broadcast %add3A_611 : i32 to vector<16xi32>
      %add3A_613 = arith.addi %mul3A_571, %add3A_612 : vector<16xi32>
      tpu.vector_store_idx %arg10[%add3A_565, %add3A_613], %gather3A_610 : memref<16x128xf32, #tpu.memory_space<vmem>>[vector<16xi32>, vector<16xi32>], vector<16xf32>,
      %add3A_614 = arith.constant 6 : i32
      %add3A_615 = vector.broadcast %add3A_614 : i32 to vector<16xi32>
      %add3A_616 = arith.addi %mul3A_559, %add3A_615 : vector<16xi32>
      %gather3A_617 = tpu.vector_load_idx %arg9[%add3A_553, %add3A_616] : memref<128x128xf32, #tpu.memory_space<vmem>>[vector<16xi32>, vector<16xi32>], vector<16xf32>,
      %add3A_618 = arith.constant 6 : i32
      %add3A_619 = vector.broadcast %add3A_618 : i32 to vector<16xi32>
      %add3A_620 = arith.addi %mul3A_571, %add3A_619 : vector<16xi32>
      tpu.vector_store_idx %arg10[%add3A_565, %add3A_620], %gather3A_617 : memref<16x128xf32, #tpu.memory_space<vmem>>[vector<16xi32>, vector<16xi32>], vector<16xf32>,
      %add3A_621 = arith.constant 7 : i32
      %add3A_622 = vector.broadcast %add3A_621 : i32 to vector<16xi32>
      %add3A_623 = arith.addi %mul3A_559, %add3A_622 : vector<16xi32>
      %gather3A_624 = tpu.vector_load_idx %arg9[%add3A_553, %add3A_623] : memref<128x128xf32, #tpu.memory_space<vmem>>[vector<16xi32>, vector<16xi32>], vector<16xf32>,
      %add3A_625 = arith.constant 7 : i32
      %add3A_626 = vector.broadcast %add3A_625 : i32 to vector<16xi32>
      %add3A_627 = arith.addi %mul3A_571, %add3A_626 : vector<16xi32>
      tpu.vector_store_idx %arg10[%add3A_565, %add3A_627], %gather3A_624 : memref<16x128xf32, #tpu.memory_space<vmem>>[vector<16xi32>, vector<16xi32>], vector<16xf32>,
      %add3A_628 = arith.constant 8 : i32
      %add3A_629 = vector.broadcast %add3A_628 : i32 to vector<16xi32>
      %add3A_630 = arith.addi %mul3A_559, %add3A_629 : vector<16xi32>
      %gather3A_631 = tpu.vector_load_idx %arg9[%add3A_553, %add3A_630] : memref<128x128xf32, #tpu.memory_space<vmem>>[vector<16xi32>, vector<16xi32>], vector<16xf32>,
      %add3A_632 = arith.constant 8 : i32
      %add3A_633 = vector.broadcast %add3A_632 : i32 to vector<16xi32>
      %add3A_634 = arith.addi %mul3A_571, %add3A_633 : vector<16xi32>
      tpu.vector_store_idx %arg10[%add3A_565, %add3A_634], %gather3A_631 : memref<16x128xf32, #tpu.memory_space<vmem>>[vector<16xi32>, vector<16xi32>], vector<16xf32>,
      %add3A_635 = arith.constant 9 : i32
      %add3A_636 = vector.broadcast %add3A_635 : i32 to vector<16xi32>
      %add3A_637 = arith.addi %mul3A_559, %add3A_636 : vector<16xi32>
      %gather3A_638 = tpu.vector_load_idx %arg9[%add3A_553, %add3A_637] : memref<128x128xf32, #tpu.memory_space<vmem>>[vector<16xi32>, vector<16xi32>], vector<16xf32>,
      %add3A_639 = arith.constant 9 : i32
      %add3A_640 = vector.broadcast %add3A_639 : i32 to vector<16xi32>
      %add3A_641 = arith.addi %mul3A_571, %add3A_640 : vector<16xi32>
      tpu.vector_store_idx %arg10[%add3A_565, %add3A_641], %gather3A_638 : memref<16x128xf32, #tpu.memory_space<vmem>>[vector<16xi32>, vector<16xi32>], vector<16xf32>,
      %add3A_642 = arith.constant 10 : i32
      %add3A_643 = vector.broadcast %add3A_642 : i32 to vector<16xi32>
      %add3A_644 = arith.addi %mul3A_559, %add3A_643 : vector<16xi32>
      %gather3A_645 = tpu.vector_load_idx %arg9[%add3A_553, %add3A_644] : memref<128x128xf32, #tpu.memory_space<vmem>>[vector<16xi32>, vector<16xi32>], vector<16xf32>,
      %add3A_646 = arith.constant 10 : i32
      %add3A_647 = vector.broadcast %add3A_646 : i32 to vector<16xi32>
      %add3A_648 = arith.addi %mul3A_571, %add3A_647 : vector<16xi32>
      tpu.vector_store_idx %arg10[%add3A_565, %add3A_648], %gather3A_645 : memref<16x128xf32, #tpu.memory_space<vmem>>[vector<16xi32>, vector<16xi32>], vector<16xf32>,
      %add3A_649 = arith.constant 11 : i32
      %add3A_650 = vector.broadcast %add3A_649 : i32 to vector<16xi32>
      %add3A_651 = arith.addi %mul3A_559, %add3A_650 : vector<16xi32>
      %gather3A_652 = tpu.vector_load_idx %arg9[%add3A_553, %add3A_651] : memref<128x128xf32, #tpu.memory_space<vmem>>[vector<16xi32>, vector<16xi32>], vector<16xf32>,
      %add3A_653 = arith.constant 11 : i32
      %add3A_654 = vector.broadcast %add3A_653 : i32 to vector<16xi32>
      %add3A_655 = arith.addi %mul3A_571, %add3A_654 : vector<16xi32>
      tpu.vector_store_idx %arg10[%add3A_565, %add3A_655], %gather3A_652 : memref<16x128xf32, #tpu.memory_space<vmem>>[vector<16xi32>, vector<16xi32>], vector<16xf32>,
      %add3A_656 = arith.constant 12 : i32
      %add3A_657 = vector.broadcast %add3A_656 : i32 to vector<16xi32>
      %add3A_658 = arith.addi %mul3A_559, %add3A_657 : vector<16xi32>
      %gather3A_659 = tpu.vector_load_idx %arg9[%add3A_553, %add3A_658] : memref<128x128xf32, #tpu.memory_space<vmem>>[vector<16xi32>, vector<16xi32>], vector<16xf32>,
      %add3A_660 = arith.constant 12 : i32
      %add3A_661 = vector.broadcast %add3A_660 : i32 to vector<16xi32>
      %add3A_662 = arith.addi %mul3A_571, %add3A_661 : vector<16xi32>
      tpu.vector_store_idx %arg10[%add3A_565, %add3A_662], %gather3A_659 : memref<16x128xf32, #tpu.memory_space<vmem>>[vector<16xi32>, vector<16xi32>], vector<16xf32>,
      %add3A_663 = arith.constant 13 : i32
      %add3A_664 = vector.broadcast %add3A_663 : i32 to vector<16xi32>
      %add3A_665 = arith.addi %mul3A_559, %add3A_664 : vector<16xi32>
      %gather3A_666 = tpu.vector_load_idx %arg9[%add3A_553, %add3A_665] : memref<128x128xf32, #tpu.memory_space<vmem>>[vector<16xi32>, vector<16xi32>], vector<16xf32>,
      %add3A_667 = arith.constant 13 : i32
      %add3A_668 = vector.broadcast %add3A_667 : i32 to vector<16xi32>
      %add3A_669 = arith.addi %mul3A_571, %add3A_668 : vector<16xi32>
      tpu.vector_store_idx %arg10[%add3A_565, %add3A_669], %gather3A_666 : memref<16x128xf32, #tpu.memory_space<vmem>>[vector<16xi32>, vector<16xi32>], vector<16xf32>,
      %add3A_670 = arith.constant 14 : i32
      %add3A_671 = vector.broadcast %add3A_670 : i32 to vector<16xi32>
      %add3A_672 = arith.addi %mul3A_559, %add3A_671 : vector<16xi32>
      %gather3A_673 = tpu.vector_load_idx %arg9[%add3A_553, %add3A_672] : memref<128x128xf32, #tpu.memory_space<vmem>>[vector<16xi32>, vector<16xi32>], vector<16xf32>,
      %add3A_674 = arith.constant 14 : i32
      %add3A_675 = vector.broadcast %add3A_674 : i32 to vector<16xi32>
      %add3A_676 = arith.addi %mul3A_571, %add3A_675 : vector<16xi32>
      tpu.vector_store_idx %arg10[%add3A_565, %add3A_676], %gather3A_673 : memref<16x128xf32, #tpu.memory_space<vmem>>[vector<16xi32>, vector<16xi32>], vector<16xf32>,
      %add3A_677 = arith.constant 15 : i32
      %add3A_678 = vector.broadcast %add3A_677 : i32 to vector<16xi32>
      %add3A_679 = arith.addi %mul3A_559, %add3A_678 : vector<16xi32>
      %gather3A_680 = tpu.vector_load_idx %arg9[%add3A_553, %add3A_679] : memref<128x128xf32, #tpu.memory_space<vmem>>[vector<16xi32>, vector<16xi32>], vector<16xf32>,
      %add3A_681 = arith.constant 15 : i32
      %add3A_682 = vector.broadcast %add3A_681 : i32 to vector<16xi32>
      %add3A_683 = arith.addi %mul3A_571, %add3A_682 : vector<16xi32>
      tpu.vector_store_idx %arg10[%add3A_565, %add3A_683], %gather3A_680 : memref<16x128xf32, #tpu.memory_space<vmem>>[vector<16xi32>, vector<16xi32>], vector<16xf32>,
      %add3A_684 = arith.constant 80 : i32
      %add3A_685 = vector.broadcast %add3A_684 : i32 to vector<16xi32>
      %add3A_686 = arith.addi %add3A_685, %iota3A : vector<16xi32>
      %get3A_687 = arith.index_cast %scan3A_12 : i32 to index
      %get3A_688 = arith.constant 80 : index
      %get3A_689 = tpu.vector_load %arg7[%get3A_687, %get3A_688] {strides = array<i32>} : memref<104x128xi32, #tpu.memory_space<vmem>>, vector<16xi32>,
      %mul3A_690 = arith.constant 16 : i32
      %mul3A_691 = vector.broadcast %mul3A_690 : i32 to vector<16xi32>
      %mul3A_692 = arith.muli %get3A_689, %mul3A_691 : vector<16xi32>
      %shift_right_logical3A_693 = arith.constant 3 : i32
      %shift_right_logical3A_694 = vector.broadcast %shift_right_logical3A_693 : i32 to vector<16xi32>
      %shift_right_logical3A_695 = arith.shrui %iota3A, %shift_right_logical3A_694 : vector<16xi32>
      %add3A_696 = arith.constant 10 : i32
      %add3A_697 = vector.broadcast %add3A_696 : i32 to vector<16xi32>
      %add3A_698 = arith.addi %add3A_697, %shift_right_logical3A_695 : vector<16xi32>
      %and3A_699 = arith.constant 7 : i32
      %and3A_700 = vector.broadcast %and3A_699 : i32 to vector<16xi32>
      %and3A_701 = arith.andi %iota3A, %and3A_700 : vector<16xi32>
      %mul3A_702 = arith.constant 16 : i32
      %mul3A_703 = vector.broadcast %mul3A_702 : i32 to vector<16xi32>
      %mul3A_704 = arith.muli %and3A_701, %mul3A_703 : vector<16xi32>
      %add3A_705 = arith.constant 0 : i32
      %add3A_706 = vector.broadcast %add3A_705 : i32 to vector<16xi32>
      %add3A_707 = arith.addi %mul3A_692, %add3A_706 : vector<16xi32>
      %gather3A_708 = tpu.vector_load_idx %arg9[%add3A_686, %add3A_707] : memref<128x128xf32, #tpu.memory_space<vmem>>[vector<16xi32>, vector<16xi32>], vector<16xf32>,
      %add3A_709 = arith.constant 0 : i32
      %add3A_710 = vector.broadcast %add3A_709 : i32 to vector<16xi32>
      %add3A_711 = arith.addi %mul3A_704, %add3A_710 : vector<16xi32>
      tpu.vector_store_idx %arg10[%add3A_698, %add3A_711], %gather3A_708 : memref<16x128xf32, #tpu.memory_space<vmem>>[vector<16xi32>, vector<16xi32>], vector<16xf32>,
      %add3A_712 = arith.constant 1 : i32
      %add3A_713 = vector.broadcast %add3A_712 : i32 to vector<16xi32>
      %add3A_714 = arith.addi %mul3A_692, %add3A_713 : vector<16xi32>
      %gather3A_715 = tpu.vector_load_idx %arg9[%add3A_686, %add3A_714] : memref<128x128xf32, #tpu.memory_space<vmem>>[vector<16xi32>, vector<16xi32>], vector<16xf32>,
      %add3A_716 = arith.constant 1 : i32
      %add3A_717 = vector.broadcast %add3A_716 : i32 to vector<16xi32>
      %add3A_718 = arith.addi %mul3A_704, %add3A_717 : vector<16xi32>
      tpu.vector_store_idx %arg10[%add3A_698, %add3A_718], %gather3A_715 : memref<16x128xf32, #tpu.memory_space<vmem>>[vector<16xi32>, vector<16xi32>], vector<16xf32>,
      %add3A_719 = arith.constant 2 : i32
      %add3A_720 = vector.broadcast %add3A_719 : i32 to vector<16xi32>
      %add3A_721 = arith.addi %mul3A_692, %add3A_720 : vector<16xi32>
      %gather3A_722 = tpu.vector_load_idx %arg9[%add3A_686, %add3A_721] : memref<128x128xf32, #tpu.memory_space<vmem>>[vector<16xi32>, vector<16xi32>], vector<16xf32>,
      %add3A_723 = arith.constant 2 : i32
      %add3A_724 = vector.broadcast %add3A_723 : i32 to vector<16xi32>
      %add3A_725 = arith.addi %mul3A_704, %add3A_724 : vector<16xi32>
      tpu.vector_store_idx %arg10[%add3A_698, %add3A_725], %gather3A_722 : memref<16x128xf32, #tpu.memory_space<vmem>>[vector<16xi32>, vector<16xi32>], vector<16xf32>,
      %add3A_726 = arith.constant 3 : i32
      %add3A_727 = vector.broadcast %add3A_726 : i32 to vector<16xi32>
      %add3A_728 = arith.addi %mul3A_692, %add3A_727 : vector<16xi32>
      %gather3A_729 = tpu.vector_load_idx %arg9[%add3A_686, %add3A_728] : memref<128x128xf32, #tpu.memory_space<vmem>>[vector<16xi32>, vector<16xi32>], vector<16xf32>,
      %add3A_730 = arith.constant 3 : i32
      %add3A_731 = vector.broadcast %add3A_730 : i32 to vector<16xi32>
      %add3A_732 = arith.addi %mul3A_704, %add3A_731 : vector<16xi32>
      tpu.vector_store_idx %arg10[%add3A_698, %add3A_732], %gather3A_729 : memref<16x128xf32, #tpu.memory_space<vmem>>[vector<16xi32>, vector<16xi32>], vector<16xf32>,
      %add3A_733 = arith.constant 4 : i32
      %add3A_734 = vector.broadcast %add3A_733 : i32 to vector<16xi32>
      %add3A_735 = arith.addi %mul3A_692, %add3A_734 : vector<16xi32>
      %gather3A_736 = tpu.vector_load_idx %arg9[%add3A_686, %add3A_735] : memref<128x128xf32, #tpu.memory_space<vmem>>[vector<16xi32>, vector<16xi32>], vector<16xf32>,
      %add3A_737 = arith.constant 4 : i32
      %add3A_738 = vector.broadcast %add3A_737 : i32 to vector<16xi32>
      %add3A_739 = arith.addi %mul3A_704, %add3A_738 : vector<16xi32>
      tpu.vector_store_idx %arg10[%add3A_698, %add3A_739], %gather3A_736 : memref<16x128xf32, #tpu.memory_space<vmem>>[vector<16xi32>, vector<16xi32>], vector<16xf32>,
      %add3A_740 = arith.constant 5 : i32
      %add3A_741 = vector.broadcast %add3A_740 : i32 to vector<16xi32>
      %add3A_742 = arith.addi %mul3A_692, %add3A_741 : vector<16xi32>
      %gather3A_743 = tpu.vector_load_idx %arg9[%add3A_686, %add3A_742] : memref<128x128xf32, #tpu.memory_space<vmem>>[vector<16xi32>, vector<16xi32>], vector<16xf32>,
      %add3A_744 = arith.constant 5 : i32
      %add3A_745 = vector.broadcast %add3A_744 : i32 to vector<16xi32>
      %add3A_746 = arith.addi %mul3A_704, %add3A_745 : vector<16xi32>
      tpu.vector_store_idx %arg10[%add3A_698, %add3A_746], %gather3A_743 : memref<16x128xf32, #tpu.memory_space<vmem>>[vector<16xi32>, vector<16xi32>], vector<16xf32>,
      %add3A_747 = arith.constant 6 : i32
      %add3A_748 = vector.broadcast %add3A_747 : i32 to vector<16xi32>
      %add3A_749 = arith.addi %mul3A_692, %add3A_748 : vector<16xi32>
      %gather3A_750 = tpu.vector_load_idx %arg9[%add3A_686, %add3A_749] : memref<128x128xf32, #tpu.memory_space<vmem>>[vector<16xi32>, vector<16xi32>], vector<16xf32>,
      %add3A_751 = arith.constant 6 : i32
      %add3A_752 = vector.broadcast %add3A_751 : i32 to vector<16xi32>
      %add3A_753 = arith.addi %mul3A_704, %add3A_752 : vector<16xi32>
      tpu.vector_store_idx %arg10[%add3A_698, %add3A_753], %gather3A_750 : memref<16x128xf32, #tpu.memory_space<vmem>>[vector<16xi32>, vector<16xi32>], vector<16xf32>,
      %add3A_754 = arith.constant 7 : i32
      %add3A_755 = vector.broadcast %add3A_754 : i32 to vector<16xi32>
      %add3A_756 = arith.addi %mul3A_692, %add3A_755 : vector<16xi32>
      %gather3A_757 = tpu.vector_load_idx %arg9[%add3A_686, %add3A_756] : memref<128x128xf32, #tpu.memory_space<vmem>>[vector<16xi32>, vector<16xi32>], vector<16xf32>,
      %add3A_758 = arith.constant 7 : i32
      %add3A_759 = vector.broadcast %add3A_758 : i32 to vector<16xi32>
      %add3A_760 = arith.addi %mul3A_704, %add3A_759 : vector<16xi32>
      tpu.vector_store_idx %arg10[%add3A_698, %add3A_760], %gather3A_757 : memref<16x128xf32, #tpu.memory_space<vmem>>[vector<16xi32>, vector<16xi32>], vector<16xf32>,
      %add3A_761 = arith.constant 8 : i32
      %add3A_762 = vector.broadcast %add3A_761 : i32 to vector<16xi32>
      %add3A_763 = arith.addi %mul3A_692, %add3A_762 : vector<16xi32>
      %gather3A_764 = tpu.vector_load_idx %arg9[%add3A_686, %add3A_763] : memref<128x128xf32, #tpu.memory_space<vmem>>[vector<16xi32>, vector<16xi32>], vector<16xf32>,
      %add3A_765 = arith.constant 8 : i32
      %add3A_766 = vector.broadcast %add3A_765 : i32 to vector<16xi32>
      %add3A_767 = arith.addi %mul3A_704, %add3A_766 : vector<16xi32>
      tpu.vector_store_idx %arg10[%add3A_698, %add3A_767], %gather3A_764 : memref<16x128xf32, #tpu.memory_space<vmem>>[vector<16xi32>, vector<16xi32>], vector<16xf32>,
      %add3A_768 = arith.constant 9 : i32
      %add3A_769 = vector.broadcast %add3A_768 : i32 to vector<16xi32>
      %add3A_770 = arith.addi %mul3A_692, %add3A_769 : vector<16xi32>
      %gather3A_771 = tpu.vector_load_idx %arg9[%add3A_686, %add3A_770] : memref<128x128xf32, #tpu.memory_space<vmem>>[vector<16xi32>, vector<16xi32>], vector<16xf32>,
      %add3A_772 = arith.constant 9 : i32
      %add3A_773 = vector.broadcast %add3A_772 : i32 to vector<16xi32>
      %add3A_774 = arith.addi %mul3A_704, %add3A_773 : vector<16xi32>
      tpu.vector_store_idx %arg10[%add3A_698, %add3A_774], %gather3A_771 : memref<16x128xf32, #tpu.memory_space<vmem>>[vector<16xi32>, vector<16xi32>], vector<16xf32>,
      %add3A_775 = arith.constant 10 : i32
      %add3A_776 = vector.broadcast %add3A_775 : i32 to vector<16xi32>
      %add3A_777 = arith.addi %mul3A_692, %add3A_776 : vector<16xi32>
      %gather3A_778 = tpu.vector_load_idx %arg9[%add3A_686, %add3A_777] : memref<128x128xf32, #tpu.memory_space<vmem>>[vector<16xi32>, vector<16xi32>], vector<16xf32>,
      %add3A_779 = arith.constant 10 : i32
      %add3A_780 = vector.broadcast %add3A_779 : i32 to vector<16xi32>
      %add3A_781 = arith.addi %mul3A_704, %add3A_780 : vector<16xi32>
      tpu.vector_store_idx %arg10[%add3A_698, %add3A_781], %gather3A_778 : memref<16x128xf32, #tpu.memory_space<vmem>>[vector<16xi32>, vector<16xi32>], vector<16xf32>,
      %add3A_782 = arith.constant 11 : i32
      %add3A_783 = vector.broadcast %add3A_782 : i32 to vector<16xi32>
      %add3A_784 = arith.addi %mul3A_692, %add3A_783 : vector<16xi32>
      %gather3A_785 = tpu.vector_load_idx %arg9[%add3A_686, %add3A_784] : memref<128x128xf32, #tpu.memory_space<vmem>>[vector<16xi32>, vector<16xi32>], vector<16xf32>,
      %add3A_786 = arith.constant 11 : i32
      %add3A_787 = vector.broadcast %add3A_786 : i32 to vector<16xi32>
      %add3A_788 = arith.addi %mul3A_704, %add3A_787 : vector<16xi32>
      tpu.vector_store_idx %arg10[%add3A_698, %add3A_788], %gather3A_785 : memref<16x128xf32, #tpu.memory_space<vmem>>[vector<16xi32>, vector<16xi32>], vector<16xf32>,
      %add3A_789 = arith.constant 12 : i32
      %add3A_790 = vector.broadcast %add3A_789 : i32 to vector<16xi32>
      %add3A_791 = arith.addi %mul3A_692, %add3A_790 : vector<16xi32>
      %gather3A_792 = tpu.vector_load_idx %arg9[%add3A_686, %add3A_791] : memref<128x128xf32, #tpu.memory_space<vmem>>[vector<16xi32>, vector<16xi32>], vector<16xf32>,
      %add3A_793 = arith.constant 12 : i32
      %add3A_794 = vector.broadcast %add3A_793 : i32 to vector<16xi32>
      %add3A_795 = arith.addi %mul3A_704, %add3A_794 : vector<16xi32>
      tpu.vector_store_idx %arg10[%add3A_698, %add3A_795], %gather3A_792 : memref<16x128xf32, #tpu.memory_space<vmem>>[vector<16xi32>, vector<16xi32>], vector<16xf32>,
      %add3A_796 = arith.constant 13 : i32
      %add3A_797 = vector.broadcast %add3A_796 : i32 to vector<16xi32>
      %add3A_798 = arith.addi %mul3A_692, %add3A_797 : vector<16xi32>
      %gather3A_799 = tpu.vector_load_idx %arg9[%add3A_686, %add3A_798] : memref<128x128xf32, #tpu.memory_space<vmem>>[vector<16xi32>, vector<16xi32>], vector<16xf32>,
      %add3A_800 = arith.constant 13 : i32
      %add3A_801 = vector.broadcast %add3A_800 : i32 to vector<16xi32>
      %add3A_802 = arith.addi %mul3A_704, %add3A_801 : vector<16xi32>
      tpu.vector_store_idx %arg10[%add3A_698, %add3A_802], %gather3A_799 : memref<16x128xf32, #tpu.memory_space<vmem>>[vector<16xi32>, vector<16xi32>], vector<16xf32>,
      %add3A_803 = arith.constant 14 : i32
      %add3A_804 = vector.broadcast %add3A_803 : i32 to vector<16xi32>
      %add3A_805 = arith.addi %mul3A_692, %add3A_804 : vector<16xi32>
      %gather3A_806 = tpu.vector_load_idx %arg9[%add3A_686, %add3A_805] : memref<128x128xf32, #tpu.memory_space<vmem>>[vector<16xi32>, vector<16xi32>], vector<16xf32>,
      %add3A_807 = arith.constant 14 : i32
      %add3A_808 = vector.broadcast %add3A_807 : i32 to vector<16xi32>
      %add3A_809 = arith.addi %mul3A_704, %add3A_808 : vector<16xi32>
      tpu.vector_store_idx %arg10[%add3A_698, %add3A_809], %gather3A_806 : memref<16x128xf32, #tpu.memory_space<vmem>>[vector<16xi32>, vector<16xi32>], vector<16xf32>,
      %add3A_810 = arith.constant 15 : i32
      %add3A_811 = vector.broadcast %add3A_810 : i32 to vector<16xi32>
      %add3A_812 = arith.addi %mul3A_692, %add3A_811 : vector<16xi32>
      %gather3A_813 = tpu.vector_load_idx %arg9[%add3A_686, %add3A_812] : memref<128x128xf32, #tpu.memory_space<vmem>>[vector<16xi32>, vector<16xi32>], vector<16xf32>,
      %add3A_814 = arith.constant 15 : i32
      %add3A_815 = vector.broadcast %add3A_814 : i32 to vector<16xi32>
      %add3A_816 = arith.addi %mul3A_704, %add3A_815 : vector<16xi32>
      tpu.vector_store_idx %arg10[%add3A_698, %add3A_816], %gather3A_813 : memref<16x128xf32, #tpu.memory_space<vmem>>[vector<16xi32>, vector<16xi32>], vector<16xf32>,
      %add3A_817 = arith.constant 96 : i32
      %add3A_818 = vector.broadcast %add3A_817 : i32 to vector<16xi32>
      %add3A_819 = arith.addi %add3A_818, %iota3A : vector<16xi32>
      %get3A_820 = arith.index_cast %scan3A_12 : i32 to index
      %get3A_821 = arith.constant 96 : index
      %get3A_822 = tpu.vector_load %arg7[%get3A_820, %get3A_821] {strides = array<i32>} : memref<104x128xi32, #tpu.memory_space<vmem>>, vector<16xi32>,
      %mul3A_823 = arith.constant 16 : i32
      %mul3A_824 = vector.broadcast %mul3A_823 : i32 to vector<16xi32>
      %mul3A_825 = arith.muli %get3A_822, %mul3A_824 : vector<16xi32>
      %shift_right_logical3A_826 = arith.constant 3 : i32
      %shift_right_logical3A_827 = vector.broadcast %shift_right_logical3A_826 : i32 to vector<16xi32>
      %shift_right_logical3A_828 = arith.shrui %iota3A, %shift_right_logical3A_827 : vector<16xi32>
      %add3A_829 = arith.constant 12 : i32
      %add3A_830 = vector.broadcast %add3A_829 : i32 to vector<16xi32>
      %add3A_831 = arith.addi %add3A_830, %shift_right_logical3A_828 : vector<16xi32>
      %and3A_832 = arith.constant 7 : i32
      %and3A_833 = vector.broadcast %and3A_832 : i32 to vector<16xi32>
      %and3A_834 = arith.andi %iota3A, %and3A_833 : vector<16xi32>
      %mul3A_835 = arith.constant 16 : i32
      %mul3A_836 = vector.broadcast %mul3A_835 : i32 to vector<16xi32>
      %mul3A_837 = arith.muli %and3A_834, %mul3A_836 : vector<16xi32>
      %add3A_838 = arith.constant 0 : i32
      %add3A_839 = vector.broadcast %add3A_838 : i32 to vector<16xi32>
      %add3A_840 = arith.addi %mul3A_825, %add3A_839 : vector<16xi32>
      %gather3A_841 = tpu.vector_load_idx %arg9[%add3A_819, %add3A_840] : memref<128x128xf32, #tpu.memory_space<vmem>>[vector<16xi32>, vector<16xi32>], vector<16xf32>,
      %add3A_842 = arith.constant 0 : i32
      %add3A_843 = vector.broadcast %add3A_842 : i32 to vector<16xi32>
      %add3A_844 = arith.addi %mul3A_837, %add3A_843 : vector<16xi32>
      tpu.vector_store_idx %arg10[%add3A_831, %add3A_844], %gather3A_841 : memref<16x128xf32, #tpu.memory_space<vmem>>[vector<16xi32>, vector<16xi32>], vector<16xf32>,
      %add3A_845 = arith.constant 1 : i32
      %add3A_846 = vector.broadcast %add3A_845 : i32 to vector<16xi32>
      %add3A_847 = arith.addi %mul3A_825, %add3A_846 : vector<16xi32>
      %gather3A_848 = tpu.vector_load_idx %arg9[%add3A_819, %add3A_847] : memref<128x128xf32, #tpu.memory_space<vmem>>[vector<16xi32>, vector<16xi32>], vector<16xf32>,
      %add3A_849 = arith.constant 1 : i32
      %add3A_850 = vector.broadcast %add3A_849 : i32 to vector<16xi32>
      %add3A_851 = arith.addi %mul3A_837, %add3A_850 : vector<16xi32>
      tpu.vector_store_idx %arg10[%add3A_831, %add3A_851], %gather3A_848 : memref<16x128xf32, #tpu.memory_space<vmem>>[vector<16xi32>, vector<16xi32>], vector<16xf32>,
      %add3A_852 = arith.constant 2 : i32
      %add3A_853 = vector.broadcast %add3A_852 : i32 to vector<16xi32>
      %add3A_854 = arith.addi %mul3A_825, %add3A_853 : vector<16xi32>
      %gather3A_855 = tpu.vector_load_idx %arg9[%add3A_819, %add3A_854] : memref<128x128xf32, #tpu.memory_space<vmem>>[vector<16xi32>, vector<16xi32>], vector<16xf32>,
      %add3A_856 = arith.constant 2 : i32
      %add3A_857 = vector.broadcast %add3A_856 : i32 to vector<16xi32>
      %add3A_858 = arith.addi %mul3A_837, %add3A_857 : vector<16xi32>
      tpu.vector_store_idx %arg10[%add3A_831, %add3A_858], %gather3A_855 : memref<16x128xf32, #tpu.memory_space<vmem>>[vector<16xi32>, vector<16xi32>], vector<16xf32>,
      %add3A_859 = arith.constant 3 : i32
      %add3A_860 = vector.broadcast %add3A_859 : i32 to vector<16xi32>
      %add3A_861 = arith.addi %mul3A_825, %add3A_860 : vector<16xi32>
      %gather3A_862 = tpu.vector_load_idx %arg9[%add3A_819, %add3A_861] : memref<128x128xf32, #tpu.memory_space<vmem>>[vector<16xi32>, vector<16xi32>], vector<16xf32>,
      %add3A_863 = arith.constant 3 : i32
      %add3A_864 = vector.broadcast %add3A_863 : i32 to vector<16xi32>
      %add3A_865 = arith.addi %mul3A_837, %add3A_864 : vector<16xi32>
      tpu.vector_store_idx %arg10[%add3A_831, %add3A_865], %gather3A_862 : memref<16x128xf32, #tpu.memory_space<vmem>>[vector<16xi32>, vector<16xi32>], vector<16xf32>,
      %add3A_866 = arith.constant 4 : i32
      %add3A_867 = vector.broadcast %add3A_866 : i32 to vector<16xi32>
      %add3A_868 = arith.addi %mul3A_825, %add3A_867 : vector<16xi32>
      %gather3A_869 = tpu.vector_load_idx %arg9[%add3A_819, %add3A_868] : memref<128x128xf32, #tpu.memory_space<vmem>>[vector<16xi32>, vector<16xi32>], vector<16xf32>,
      %add3A_870 = arith.constant 4 : i32
      %add3A_871 = vector.broadcast %add3A_870 : i32 to vector<16xi32>
      %add3A_872 = arith.addi %mul3A_837, %add3A_871 : vector<16xi32>
      tpu.vector_store_idx %arg10[%add3A_831, %add3A_872], %gather3A_869 : memref<16x128xf32, #tpu.memory_space<vmem>>[vector<16xi32>, vector<16xi32>], vector<16xf32>,
      %add3A_873 = arith.constant 5 : i32
      %add3A_874 = vector.broadcast %add3A_873 : i32 to vector<16xi32>
      %add3A_875 = arith.addi %mul3A_825, %add3A_874 : vector<16xi32>
      %gather3A_876 = tpu.vector_load_idx %arg9[%add3A_819, %add3A_875] : memref<128x128xf32, #tpu.memory_space<vmem>>[vector<16xi32>, vector<16xi32>], vector<16xf32>,
      %add3A_877 = arith.constant 5 : i32
      %add3A_878 = vector.broadcast %add3A_877 : i32 to vector<16xi32>
      %add3A_879 = arith.addi %mul3A_837, %add3A_878 : vector<16xi32>
      tpu.vector_store_idx %arg10[%add3A_831, %add3A_879], %gather3A_876 : memref<16x128xf32, #tpu.memory_space<vmem>>[vector<16xi32>, vector<16xi32>], vector<16xf32>,
      %add3A_880 = arith.constant 6 : i32
      %add3A_881 = vector.broadcast %add3A_880 : i32 to vector<16xi32>
      %add3A_882 = arith.addi %mul3A_825, %add3A_881 : vector<16xi32>
      %gather3A_883 = tpu.vector_load_idx %arg9[%add3A_819, %add3A_882] : memref<128x128xf32, #tpu.memory_space<vmem>>[vector<16xi32>, vector<16xi32>], vector<16xf32>,
      %add3A_884 = arith.constant 6 : i32
      %add3A_885 = vector.broadcast %add3A_884 : i32 to vector<16xi32>
      %add3A_886 = arith.addi %mul3A_837, %add3A_885 : vector<16xi32>
      tpu.vector_store_idx %arg10[%add3A_831, %add3A_886], %gather3A_883 : memref<16x128xf32, #tpu.memory_space<vmem>>[vector<16xi32>, vector<16xi32>], vector<16xf32>,
      %add3A_887 = arith.constant 7 : i32
      %add3A_888 = vector.broadcast %add3A_887 : i32 to vector<16xi32>
      %add3A_889 = arith.addi %mul3A_825, %add3A_888 : vector<16xi32>
      %gather3A_890 = tpu.vector_load_idx %arg9[%add3A_819, %add3A_889] : memref<128x128xf32, #tpu.memory_space<vmem>>[vector<16xi32>, vector<16xi32>], vector<16xf32>,
      %add3A_891 = arith.constant 7 : i32
      %add3A_892 = vector.broadcast %add3A_891 : i32 to vector<16xi32>
      %add3A_893 = arith.addi %mul3A_837, %add3A_892 : vector<16xi32>
      tpu.vector_store_idx %arg10[%add3A_831, %add3A_893], %gather3A_890 : memref<16x128xf32, #tpu.memory_space<vmem>>[vector<16xi32>, vector<16xi32>], vector<16xf32>,
      %add3A_894 = arith.constant 8 : i32
      %add3A_895 = vector.broadcast %add3A_894 : i32 to vector<16xi32>
      %add3A_896 = arith.addi %mul3A_825, %add3A_895 : vector<16xi32>
      %gather3A_897 = tpu.vector_load_idx %arg9[%add3A_819, %add3A_896] : memref<128x128xf32, #tpu.memory_space<vmem>>[vector<16xi32>, vector<16xi32>], vector<16xf32>,
      %add3A_898 = arith.constant 8 : i32
      %add3A_899 = vector.broadcast %add3A_898 : i32 to vector<16xi32>
      %add3A_900 = arith.addi %mul3A_837, %add3A_899 : vector<16xi32>
      tpu.vector_store_idx %arg10[%add3A_831, %add3A_900], %gather3A_897 : memref<16x128xf32, #tpu.memory_space<vmem>>[vector<16xi32>, vector<16xi32>], vector<16xf32>,
      %add3A_901 = arith.constant 9 : i32
      %add3A_902 = vector.broadcast %add3A_901 : i32 to vector<16xi32>
      %add3A_903 = arith.addi %mul3A_825, %add3A_902 : vector<16xi32>
      %gather3A_904 = tpu.vector_load_idx %arg9[%add3A_819, %add3A_903] : memref<128x128xf32, #tpu.memory_space<vmem>>[vector<16xi32>, vector<16xi32>], vector<16xf32>,
      %add3A_905 = arith.constant 9 : i32
      %add3A_906 = vector.broadcast %add3A_905 : i32 to vector<16xi32>
      %add3A_907 = arith.addi %mul3A_837, %add3A_906 : vector<16xi32>
      tpu.vector_store_idx %arg10[%add3A_831, %add3A_907], %gather3A_904 : memref<16x128xf32, #tpu.memory_space<vmem>>[vector<16xi32>, vector<16xi32>], vector<16xf32>,
      %add3A_908 = arith.constant 10 : i32
      %add3A_909 = vector.broadcast %add3A_908 : i32 to vector<16xi32>
      %add3A_910 = arith.addi %mul3A_825, %add3A_909 : vector<16xi32>
      %gather3A_911 = tpu.vector_load_idx %arg9[%add3A_819, %add3A_910] : memref<128x128xf32, #tpu.memory_space<vmem>>[vector<16xi32>, vector<16xi32>], vector<16xf32>,
      %add3A_912 = arith.constant 10 : i32
      %add3A_913 = vector.broadcast %add3A_912 : i32 to vector<16xi32>
      %add3A_914 = arith.addi %mul3A_837, %add3A_913 : vector<16xi32>
      tpu.vector_store_idx %arg10[%add3A_831, %add3A_914], %gather3A_911 : memref<16x128xf32, #tpu.memory_space<vmem>>[vector<16xi32>, vector<16xi32>], vector<16xf32>,
      %add3A_915 = arith.constant 11 : i32
      %add3A_916 = vector.broadcast %add3A_915 : i32 to vector<16xi32>
      %add3A_917 = arith.addi %mul3A_825, %add3A_916 : vector<16xi32>
      %gather3A_918 = tpu.vector_load_idx %arg9[%add3A_819, %add3A_917] : memref<128x128xf32, #tpu.memory_space<vmem>>[vector<16xi32>, vector<16xi32>], vector<16xf32>,
      %add3A_919 = arith.constant 11 : i32
      %add3A_920 = vector.broadcast %add3A_919 : i32 to vector<16xi32>
      %add3A_921 = arith.addi %mul3A_837, %add3A_920 : vector<16xi32>
      tpu.vector_store_idx %arg10[%add3A_831, %add3A_921], %gather3A_918 : memref<16x128xf32, #tpu.memory_space<vmem>>[vector<16xi32>, vector<16xi32>], vector<16xf32>,
      %add3A_922 = arith.constant 12 : i32
      %add3A_923 = vector.broadcast %add3A_922 : i32 to vector<16xi32>
      %add3A_924 = arith.addi %mul3A_825, %add3A_923 : vector<16xi32>
      %gather3A_925 = tpu.vector_load_idx %arg9[%add3A_819, %add3A_924] : memref<128x128xf32, #tpu.memory_space<vmem>>[vector<16xi32>, vector<16xi32>], vector<16xf32>,
      %add3A_926 = arith.constant 12 : i32
      %add3A_927 = vector.broadcast %add3A_926 : i32 to vector<16xi32>
      %add3A_928 = arith.addi %mul3A_837, %add3A_927 : vector<16xi32>
      tpu.vector_store_idx %arg10[%add3A_831, %add3A_928], %gather3A_925 : memref<16x128xf32, #tpu.memory_space<vmem>>[vector<16xi32>, vector<16xi32>], vector<16xf32>,
      %add3A_929 = arith.constant 13 : i32
      %add3A_930 = vector.broadcast %add3A_929 : i32 to vector<16xi32>
      %add3A_931 = arith.addi %mul3A_825, %add3A_930 : vector<16xi32>
      %gather3A_932 = tpu.vector_load_idx %arg9[%add3A_819, %add3A_931] : memref<128x128xf32, #tpu.memory_space<vmem>>[vector<16xi32>, vector<16xi32>], vector<16xf32>,
      %add3A_933 = arith.constant 13 : i32
      %add3A_934 = vector.broadcast %add3A_933 : i32 to vector<16xi32>
      %add3A_935 = arith.addi %mul3A_837, %add3A_934 : vector<16xi32>
      tpu.vector_store_idx %arg10[%add3A_831, %add3A_935], %gather3A_932 : memref<16x128xf32, #tpu.memory_space<vmem>>[vector<16xi32>, vector<16xi32>], vector<16xf32>,
      %add3A_936 = arith.constant 14 : i32
      %add3A_937 = vector.broadcast %add3A_936 : i32 to vector<16xi32>
      %add3A_938 = arith.addi %mul3A_825, %add3A_937 : vector<16xi32>
      %gather3A_939 = tpu.vector_load_idx %arg9[%add3A_819, %add3A_938] : memref<128x128xf32, #tpu.memory_space<vmem>>[vector<16xi32>, vector<16xi32>], vector<16xf32>,
      %add3A_940 = arith.constant 14 : i32
      %add3A_941 = vector.broadcast %add3A_940 : i32 to vector<16xi32>
      %add3A_942 = arith.addi %mul3A_837, %add3A_941 : vector<16xi32>
      tpu.vector_store_idx %arg10[%add3A_831, %add3A_942], %gather3A_939 : memref<16x128xf32, #tpu.memory_space<vmem>>[vector<16xi32>, vector<16xi32>], vector<16xf32>,
      %add3A_943 = arith.constant 15 : i32
      %add3A_944 = vector.broadcast %add3A_943 : i32 to vector<16xi32>
      %add3A_945 = arith.addi %mul3A_825, %add3A_944 : vector<16xi32>
      %gather3A_946 = tpu.vector_load_idx %arg9[%add3A_819, %add3A_945] : memref<128x128xf32, #tpu.memory_space<vmem>>[vector<16xi32>, vector<16xi32>], vector<16xf32>,
      %add3A_947 = arith.constant 15 : i32
      %add3A_948 = vector.broadcast %add3A_947 : i32 to vector<16xi32>
      %add3A_949 = arith.addi %mul3A_837, %add3A_948 : vector<16xi32>
      tpu.vector_store_idx %arg10[%add3A_831, %add3A_949], %gather3A_946 : memref<16x128xf32, #tpu.memory_space<vmem>>[vector<16xi32>, vector<16xi32>], vector<16xf32>,
      %add3A_950 = arith.constant 112 : i32
      %add3A_951 = vector.broadcast %add3A_950 : i32 to vector<16xi32>
      %add3A_952 = arith.addi %add3A_951, %iota3A : vector<16xi32>
      %get3A_953 = arith.index_cast %scan3A_12 : i32 to index
      %get3A_954 = arith.constant 112 : index
      %get3A_955 = tpu.vector_load %arg7[%get3A_953, %get3A_954] {strides = array<i32>} : memref<104x128xi32, #tpu.memory_space<vmem>>, vector<16xi32>,
      %mul3A_956 = arith.constant 16 : i32
      %mul3A_957 = vector.broadcast %mul3A_956 : i32 to vector<16xi32>
      %mul3A_958 = arith.muli %get3A_955, %mul3A_957 : vector<16xi32>
      %shift_right_logical3A_959 = arith.constant 3 : i32
      %shift_right_logical3A_960 = vector.broadcast %shift_right_logical3A_959 : i32 to vector<16xi32>
      %shift_right_logical3A_961 = arith.shrui %iota3A, %shift_right_logical3A_960 : vector<16xi32>
      %add3A_962 = arith.constant 14 : i32
      %add3A_963 = vector.broadcast %add3A_962 : i32 to vector<16xi32>
      %add3A_964 = arith.addi %add3A_963, %shift_right_logical3A_961 : vector<16xi32>
      %and3A_965 = arith.constant 7 : i32
      %and3A_966 = vector.broadcast %and3A_965 : i32 to vector<16xi32>
      %and3A_967 = arith.andi %iota3A, %and3A_966 : vector<16xi32>
      %mul3A_968 = arith.constant 16 : i32
      %mul3A_969 = vector.broadcast %mul3A_968 : i32 to vector<16xi32>
      %mul3A_970 = arith.muli %and3A_967, %mul3A_969 : vector<16xi32>
      %add3A_971 = arith.constant 0 : i32
      %add3A_972 = vector.broadcast %add3A_971 : i32 to vector<16xi32>
      %add3A_973 = arith.addi %mul3A_958, %add3A_972 : vector<16xi32>
      %gather3A_974 = tpu.vector_load_idx %arg9[%add3A_952, %add3A_973] : memref<128x128xf32, #tpu.memory_space<vmem>>[vector<16xi32>, vector<16xi32>], vector<16xf32>,
      %add3A_975 = arith.constant 0 : i32
      %add3A_976 = vector.broadcast %add3A_975 : i32 to vector<16xi32>
      %add3A_977 = arith.addi %mul3A_970, %add3A_976 : vector<16xi32>
      tpu.vector_store_idx %arg10[%add3A_964, %add3A_977], %gather3A_974 : memref<16x128xf32, #tpu.memory_space<vmem>>[vector<16xi32>, vector<16xi32>], vector<16xf32>,
      %add3A_978 = arith.constant 1 : i32
      %add3A_979 = vector.broadcast %add3A_978 : i32 to vector<16xi32>
      %add3A_980 = arith.addi %mul3A_958, %add3A_979 : vector<16xi32>
      %gather3A_981 = tpu.vector_load_idx %arg9[%add3A_952, %add3A_980] : memref<128x128xf32, #tpu.memory_space<vmem>>[vector<16xi32>, vector<16xi32>], vector<16xf32>,
      %add3A_982 = arith.constant 1 : i32
      %add3A_983 = vector.broadcast %add3A_982 : i32 to vector<16xi32>
      %add3A_984 = arith.addi %mul3A_970, %add3A_983 : vector<16xi32>
      tpu.vector_store_idx %arg10[%add3A_964, %add3A_984], %gather3A_981 : memref<16x128xf32, #tpu.memory_space<vmem>>[vector<16xi32>, vector<16xi32>], vector<16xf32>,
      %add3A_985 = arith.constant 2 : i32
      %add3A_986 = vector.broadcast %add3A_985 : i32 to vector<16xi32>
      %add3A_987 = arith.addi %mul3A_958, %add3A_986 : vector<16xi32>
      %gather3A_988 = tpu.vector_load_idx %arg9[%add3A_952, %add3A_987] : memref<128x128xf32, #tpu.memory_space<vmem>>[vector<16xi32>, vector<16xi32>], vector<16xf32>,
      %add3A_989 = arith.constant 2 : i32
      %add3A_990 = vector.broadcast %add3A_989 : i32 to vector<16xi32>
      %add3A_991 = arith.addi %mul3A_970, %add3A_990 : vector<16xi32>
      tpu.vector_store_idx %arg10[%add3A_964, %add3A_991], %gather3A_988 : memref<16x128xf32, #tpu.memory_space<vmem>>[vector<16xi32>, vector<16xi32>], vector<16xf32>,
      %add3A_992 = arith.constant 3 : i32
      %add3A_993 = vector.broadcast %add3A_992 : i32 to vector<16xi32>
      %add3A_994 = arith.addi %mul3A_958, %add3A_993 : vector<16xi32>
      %gather3A_995 = tpu.vector_load_idx %arg9[%add3A_952, %add3A_994] : memref<128x128xf32, #tpu.memory_space<vmem>>[vector<16xi32>, vector<16xi32>], vector<16xf32>,
      %add3A_996 = arith.constant 3 : i32
      %add3A_997 = vector.broadcast %add3A_996 : i32 to vector<16xi32>
      %add3A_998 = arith.addi %mul3A_970, %add3A_997 : vector<16xi32>
      tpu.vector_store_idx %arg10[%add3A_964, %add3A_998], %gather3A_995 : memref<16x128xf32, #tpu.memory_space<vmem>>[vector<16xi32>, vector<16xi32>], vector<16xf32>,
      %add3A_999 = arith.constant 4 : i32
      %add3A_1000 = vector.broadcast %add3A_999 : i32 to vector<16xi32>
      %add3A_1001 = arith.addi %mul3A_958, %add3A_1000 : vector<16xi32>
      %gather3A_1002 = tpu.vector_load_idx %arg9[%add3A_952, %add3A_1001] : memref<128x128xf32, #tpu.memory_space<vmem>>[vector<16xi32>, vector<16xi32>], vector<16xf32>,
      %add3A_1003 = arith.constant 4 : i32
      %add3A_1004 = vector.broadcast %add3A_1003 : i32 to vector<16xi32>
      %add3A_1005 = arith.addi %mul3A_970, %add3A_1004 : vector<16xi32>
      tpu.vector_store_idx %arg10[%add3A_964, %add3A_1005], %gather3A_1002 : memref<16x128xf32, #tpu.memory_space<vmem>>[vector<16xi32>, vector<16xi32>], vector<16xf32>,
      %add3A_1006 = arith.constant 5 : i32
      %add3A_1007 = vector.broadcast %add3A_1006 : i32 to vector<16xi32>
      %add3A_1008 = arith.addi %mul3A_958, %add3A_1007 : vector<16xi32>
      %gather3A_1009 = tpu.vector_load_idx %arg9[%add3A_952, %add3A_1008] : memref<128x128xf32, #tpu.memory_space<vmem>>[vector<16xi32>, vector<16xi32>], vector<16xf32>,
      %add3A_1010 = arith.constant 5 : i32
      %add3A_1011 = vector.broadcast %add3A_1010 : i32 to vector<16xi32>
      %add3A_1012 = arith.addi %mul3A_970, %add3A_1011 : vector<16xi32>
      tpu.vector_store_idx %arg10[%add3A_964, %add3A_1012], %gather3A_1009 : memref<16x128xf32, #tpu.memory_space<vmem>>[vector<16xi32>, vector<16xi32>], vector<16xf32>,
      %add3A_1013 = arith.constant 6 : i32
      %add3A_1014 = vector.broadcast %add3A_1013 : i32 to vector<16xi32>
      %add3A_1015 = arith.addi %mul3A_958, %add3A_1014 : vector<16xi32>
      %gather3A_1016 = tpu.vector_load_idx %arg9[%add3A_952, %add3A_1015] : memref<128x128xf32, #tpu.memory_space<vmem>>[vector<16xi32>, vector<16xi32>], vector<16xf32>,
      %add3A_1017 = arith.constant 6 : i32
      %add3A_1018 = vector.broadcast %add3A_1017 : i32 to vector<16xi32>
      %add3A_1019 = arith.addi %mul3A_970, %add3A_1018 : vector<16xi32>
      tpu.vector_store_idx %arg10[%add3A_964, %add3A_1019], %gather3A_1016 : memref<16x128xf32, #tpu.memory_space<vmem>>[vector<16xi32>, vector<16xi32>], vector<16xf32>,
      %add3A_1020 = arith.constant 7 : i32
      %add3A_1021 = vector.broadcast %add3A_1020 : i32 to vector<16xi32>
      %add3A_1022 = arith.addi %mul3A_958, %add3A_1021 : vector<16xi32>
      %gather3A_1023 = tpu.vector_load_idx %arg9[%add3A_952, %add3A_1022] : memref<128x128xf32, #tpu.memory_space<vmem>>[vector<16xi32>, vector<16xi32>], vector<16xf32>,
      %add3A_1024 = arith.constant 7 : i32
      %add3A_1025 = vector.broadcast %add3A_1024 : i32 to vector<16xi32>
      %add3A_1026 = arith.addi %mul3A_970, %add3A_1025 : vector<16xi32>
      tpu.vector_store_idx %arg10[%add3A_964, %add3A_1026], %gather3A_1023 : memref<16x128xf32, #tpu.memory_space<vmem>>[vector<16xi32>, vector<16xi32>], vector<16xf32>,
      %add3A_1027 = arith.constant 8 : i32
      %add3A_1028 = vector.broadcast %add3A_1027 : i32 to vector<16xi32>
      %add3A_1029 = arith.addi %mul3A_958, %add3A_1028 : vector<16xi32>
      %gather3A_1030 = tpu.vector_load_idx %arg9[%add3A_952, %add3A_1029] : memref<128x128xf32, #tpu.memory_space<vmem>>[vector<16xi32>, vector<16xi32>], vector<16xf32>,
      %add3A_1031 = arith.constant 8 : i32
      %add3A_1032 = vector.broadcast %add3A_1031 : i32 to vector<16xi32>
      %add3A_1033 = arith.addi %mul3A_970, %add3A_1032 : vector<16xi32>
      tpu.vector_store_idx %arg10[%add3A_964, %add3A_1033], %gather3A_1030 : memref<16x128xf32, #tpu.memory_space<vmem>>[vector<16xi32>, vector<16xi32>], vector<16xf32>,
      %add3A_1034 = arith.constant 9 : i32
      %add3A_1035 = vector.broadcast %add3A_1034 : i32 to vector<16xi32>
      %add3A_1036 = arith.addi %mul3A_958, %add3A_1035 : vector<16xi32>
      %gather3A_1037 = tpu.vector_load_idx %arg9[%add3A_952, %add3A_1036] : memref<128x128xf32, #tpu.memory_space<vmem>>[vector<16xi32>, vector<16xi32>], vector<16xf32>,
      %add3A_1038 = arith.constant 9 : i32
      %add3A_1039 = vector.broadcast %add3A_1038 : i32 to vector<16xi32>
      %add3A_1040 = arith.addi %mul3A_970, %add3A_1039 : vector<16xi32>
      tpu.vector_store_idx %arg10[%add3A_964, %add3A_1040], %gather3A_1037 : memref<16x128xf32, #tpu.memory_space<vmem>>[vector<16xi32>, vector<16xi32>], vector<16xf32>,
      %add3A_1041 = arith.constant 10 : i32
      %add3A_1042 = vector.broadcast %add3A_1041 : i32 to vector<16xi32>
      %add3A_1043 = arith.addi %mul3A_958, %add3A_1042 : vector<16xi32>
      %gather3A_1044 = tpu.vector_load_idx %arg9[%add3A_952, %add3A_1043] : memref<128x128xf32, #tpu.memory_space<vmem>>[vector<16xi32>, vector<16xi32>], vector<16xf32>,
      %add3A_1045 = arith.constant 10 : i32
      %add3A_1046 = vector.broadcast %add3A_1045 : i32 to vector<16xi32>
      %add3A_1047 = arith.addi %mul3A_970, %add3A_1046 : vector<16xi32>
      tpu.vector_store_idx %arg10[%add3A_964, %add3A_1047], %gather3A_1044 : memref<16x128xf32, #tpu.memory_space<vmem>>[vector<16xi32>, vector<16xi32>], vector<16xf32>,
      %add3A_1048 = arith.constant 11 : i32
      %add3A_1049 = vector.broadcast %add3A_1048 : i32 to vector<16xi32>
      %add3A_1050 = arith.addi %mul3A_958, %add3A_1049 : vector<16xi32>
      %gather3A_1051 = tpu.vector_load_idx %arg9[%add3A_952, %add3A_1050] : memref<128x128xf32, #tpu.memory_space<vmem>>[vector<16xi32>, vector<16xi32>], vector<16xf32>,
      %add3A_1052 = arith.constant 11 : i32
      %add3A_1053 = vector.broadcast %add3A_1052 : i32 to vector<16xi32>
      %add3A_1054 = arith.addi %mul3A_970, %add3A_1053 : vector<16xi32>
      tpu.vector_store_idx %arg10[%add3A_964, %add3A_1054], %gather3A_1051 : memref<16x128xf32, #tpu.memory_space<vmem>>[vector<16xi32>, vector<16xi32>], vector<16xf32>,
      %add3A_1055 = arith.constant 12 : i32
      %add3A_1056 = vector.broadcast %add3A_1055 : i32 to vector<16xi32>
      %add3A_1057 = arith.addi %mul3A_958, %add3A_1056 : vector<16xi32>
      %gather3A_1058 = tpu.vector_load_idx %arg9[%add3A_952, %add3A_1057] : memref<128x128xf32, #tpu.memory_space<vmem>>[vector<16xi32>, vector<16xi32>], vector<16xf32>,
      %add3A_1059 = arith.constant 12 : i32
      %add3A_1060 = vector.broadcast %add3A_1059 : i32 to vector<16xi32>
      %add3A_1061 = arith.addi %mul3A_970, %add3A_1060 : vector<16xi32>
      tpu.vector_store_idx %arg10[%add3A_964, %add3A_1061], %gather3A_1058 : memref<16x128xf32, #tpu.memory_space<vmem>>[vector<16xi32>, vector<16xi32>], vector<16xf32>,
      %add3A_1062 = arith.constant 13 : i32
      %add3A_1063 = vector.broadcast %add3A_1062 : i32 to vector<16xi32>
      %add3A_1064 = arith.addi %mul3A_958, %add3A_1063 : vector<16xi32>
      %gather3A_1065 = tpu.vector_load_idx %arg9[%add3A_952, %add3A_1064] : memref<128x128xf32, #tpu.memory_space<vmem>>[vector<16xi32>, vector<16xi32>], vector<16xf32>,
      %add3A_1066 = arith.constant 13 : i32
      %add3A_1067 = vector.broadcast %add3A_1066 : i32 to vector<16xi32>
      %add3A_1068 = arith.addi %mul3A_970, %add3A_1067 : vector<16xi32>
      tpu.vector_store_idx %arg10[%add3A_964, %add3A_1068], %gather3A_1065 : memref<16x128xf32, #tpu.memory_space<vmem>>[vector<16xi32>, vector<16xi32>], vector<16xf32>,
      %add3A_1069 = arith.constant 14 : i32
      %add3A_1070 = vector.broadcast %add3A_1069 : i32 to vector<16xi32>
      %add3A_1071 = arith.addi %mul3A_958, %add3A_1070 : vector<16xi32>
      %gather3A_1072 = tpu.vector_load_idx %arg9[%add3A_952, %add3A_1071] : memref<128x128xf32, #tpu.memory_space<vmem>>[vector<16xi32>, vector<16xi32>], vector<16xf32>,
      %add3A_1073 = arith.constant 14 : i32
      %add3A_1074 = vector.broadcast %add3A_1073 : i32 to vector<16xi32>
      %add3A_1075 = arith.addi %mul3A_970, %add3A_1074 : vector<16xi32>
      tpu.vector_store_idx %arg10[%add3A_964, %add3A_1075], %gather3A_1072 : memref<16x128xf32, #tpu.memory_space<vmem>>[vector<16xi32>, vector<16xi32>], vector<16xf32>,
      %add3A_1076 = arith.constant 15 : i32
      %add3A_1077 = vector.broadcast %add3A_1076 : i32 to vector<16xi32>
      %add3A_1078 = arith.addi %mul3A_958, %add3A_1077 : vector<16xi32>
      %gather3A_1079 = tpu.vector_load_idx %arg9[%add3A_952, %add3A_1078] : memref<128x128xf32, #tpu.memory_space<vmem>>[vector<16xi32>, vector<16xi32>], vector<16xf32>,
      %add3A_1080 = arith.constant 15 : i32
      %add3A_1081 = vector.broadcast %add3A_1080 : i32 to vector<16xi32>
      %add3A_1082 = arith.addi %mul3A_970, %add3A_1081 : vector<16xi32>
      tpu.vector_store_idx %arg10[%add3A_964, %add3A_1082], %gather3A_1079 : memref<16x128xf32, #tpu.memory_space<vmem>>[vector<16xi32>, vector<16xi32>], vector<16xf32>,
      %add3A_1083 = arith.addi %mul3A_2, %scan3A_12 : i32
      %mul3A_1084 = arith.constant 16 : i32
      %mul3A_1085 = arith.muli %add3A_1083, %mul3A_1084 : i32
      "tpu.region"() ({
        %run_scoped3A = tpu.sem_alloc : memref<!tpu.dma_semaphore, #tpu.memory_space<semaphore_mem>>
        %dma_start3A_1086 = arith.constant 0 : i32
        %dma_start3A_1087 = tpu.memref_slice %arg5[%mul3A_1085, %dma_start3A_1086] : memref<53248x128xf32, #tpu.memory_space<hbm>> -> memref<16x128xf32, #tpu.memory_space<hbm>>
        %dma_start3A_1088 = arith.constant 0 : i32
        %dma_start3A_1089 = tpu.memref_slice %arg5[%mul3A_1085, %dma_start3A_1088] : memref<53248x128xf32, #tpu.memory_space<hbm>> -> memref<16x128xf32, #tpu.memory_space<hbm>>
        tpu.enqueue_dma source(%arg10 : memref<16x128xf32, #tpu.memory_space<vmem>>) target(%dma_start3A_1089 : memref<16x128xf32, #tpu.memory_space<hbm>>) target_semaphore(%run_scoped3A : memref<!tpu.dma_semaphore, #tpu.memory_space<semaphore_mem>>)
        %dma_wait3A_1090 = arith.constant 0 : i32
        %dma_wait3A_1091 = tpu.memref_slice %arg5[%mul3A_1085, %dma_wait3A_1090] : memref<53248x128xf32, #tpu.memory_space<hbm>> -> memref<16x128xf32, #tpu.memory_space<hbm>>
        %dma_wait3A_1092 = arith.constant 0 : i32
        %dma_wait3A_1093 = tpu.memref_slice %arg5[%mul3A_1085, %dma_wait3A_1092] : memref<53248x128xf32, #tpu.memory_space<hbm>> -> memref<16x128xf32, #tpu.memory_space<hbm>>
        tpu.wait_dma2 semaphore(%run_scoped3A : memref<!tpu.dma_semaphore, #tpu.memory_space<semaphore_mem>>) src(%arg10 : memref<16x128xf32, #tpu.memory_space<vmem>>) dst(%dma_wait3A_1093 : memref<16x128xf32, #tpu.memory_space<hbm>>)
        tpu.yield
      }) : () -> ()
    }
    %scan3A_11 = arith.constant 104 : i32
    return
  }
}

</mosaic_0001>

<sc_bundles>
// kernel: kernel.3.cloned.1.call-start
scs
__scs_entry_jumppad:
0x0: {  	(pc) =	sbr.rel $0x88, $3  }
0x1: {  	(tag) =	ssettag $0x0;
	lr =	simm.s32 $0x1  }
0x2: {  	[smem:$0x3F9F] =	sst lr;
	_ =	strace $0xD0000000  }
0x3: {  	_ = 	snop  }
0x4: {  	_ = 	snop  }
0x5: {  	_ = 	snop  }
0x6: {  	_ = 	snop  }
0x7: {  	_ = 	snop  }
__scs_overlays_trampoline_lowered:
0x8: {  	[smem:$0x3FAE] =	sst s0  }
0x9: {  	[smem:$0x3FAF] =	sst s1  }
0xa: {  	[smem:$0x3FB0] =	sst s2  }
0xb: {  	[smem:$0x3FB1] =	sst s3  }
0xc: {  	[smem:$0x3FB2] =	sst s4  }
0xd: {  	[smem:$0x3FB3] =	sst s5  }
0xe: {  	[smem:$0x3FB4] =	sst s6  }
0xf: {  	[smem:$0x3FB5] =	sst s7  }
0x10: {  	[smem:$0x3FB6] =	sst s8  }
0x11: {  	[smem:$0x3FB7] =	sst s9;
	s0 =	simm.s32 @!p0 $0x0  }
0x12: {  	s1 =	sld [smem:$0x3F9D];
	s0 =	simm.s32 @p0 $0x1  }
0x13: {  	[smem:$0x3FB8] =	sst s0;
	s0 =	simm.s32 @!p1 $0x0  }
0x14: {  	s2 =	sld [smem:$0x3F9C];
	s0 =	simm.s32 @p1 $0x1  }
0x15: {  	[smem:$0x3FB9] =	sst s0;
	s0 =	simm.s32 @!p2 $0x0  }
0x16: {  	s3 =	sld [smem:$0x3FDB];
	s0 =	simm.s32 @p2 $0x1  }
0x17: {  	s4 =	simm.s32 $0x1BF5;
	[smem:$0x3FBB] =	sst s0  }
0x18: {  	s0 =	sld [smem:$0x3F9E];
	_ =	swait.ge [sflag:s4], $0x0  }
0x19: {  	s7 =	sld [smem:$0x3F9F]  }
0x1a: {  	s8 =	sadd.s32 $0xFFFFE003, lr  }
0x1b: {  	s9 =	sadd.s32 $0xFFFFFEF7, lr;
	s5 =	simm.s32 $0xFFFFFFFF;
	p2 =	slt.u32 s8, $0xFFFFF086  }
0x1c: {  	p1 =	slt.u32 s9, $0xF7A;
	s5 =	simm.s32 @!p2 $0x0  }
0x1d: {  	s5 =	simm.s32 @p1 $0x1;
	p0 =	seq.s32 s7, s2  }
0x1e: {  	s7 =	smul.u32 @!p0 $0xF7A, s2;
	p2 =	seq.s32 @!p0 s5, $0x0  }
0x1f: {  	s9 =	smul.u32 $0xF7A, s1;
	s8 =	simm.s32 @!p0 $0x1BF5;
	p2 =	por !p2, p0  }
0x20: {  	[sflag:s8] =	ssyncset.s32 @!p0 $0xFFFFF086;
	s6 =	sadd.s32 @!p0 s3, s7;
	s7 =	simm.s32 @!p0 $0x108  }
0x21: {  	s3 =	sadd.s32 s3, s9;
	s6 =	sadd.s32 @!p0 $0x88, s6;
	s7 =	simm.s32 @p2 $0x1082  }
0x22: {  	[simem:s7], [sflag:s8] =	dma.local @!p0 [hbm:s6], $0xF7A  }
0x23: {  	s9 =	sor.u32 $0xD0000000, s2;
	s6 =	simm.s32 $0x108;
	_ =	swait.ge @!p0 [sflag:s8], $0x0  }
0x24: {  	s3 =	sadd.s32 $0x88, s3;
	s6 =	simm.s32 @!p1 $0x1082;
	[sflag:s4] =	ssyncset.s32 $0xFFFFF086  }
0x25: {  	[simem:s6], [sflag:s4] =	dma.local [hbm:s3], $0xF7A  }
0x26: {  	[smem:$0x3F9F] =	sst s1;
	(tag) =	ssettag s2;
	_ =	strace s9  }
0x27: {  	s1 =	sld [smem:$0x3FAF]  }
0x28: {  	s2 =	sld [smem:$0x3FB0]  }
0x29: {  	s4 =	sld [smem:$0x3FB2]  }
0x2a: {  	p0 =	seq.s32 s5, $0x0;
	s5 =	sld [smem:$0x3FB3]  }
0x2b: {  	s6 =	sld [smem:$0x3FB4]  }
0x2c: {  	s7 =	sld [smem:$0x3FB5]  }
0x2d: {  	s3 =	simm.s32 $0x108;
	s8 =	sld [smem:$0x3FB6]  }
0x2e: {  	s3 =	simm.s32 @!p0 $0x1082;
	s9 =	sld [smem:$0x3FB7]  }
0x2f: {  	lr =	sadd.s32 s0, s3;
	s0 =	sld [smem:$0x3FAE]  }
0x30: {  	s3 =	sld [smem:$0x3FB1]  }
0x31: {  	[smem:$0x3FBA] =	sst s10  }
0x32: {  	s10 =	sld [smem:$0x3FB8];
	_ =	sdelay $0x3  }
0x33: {  	p0 =	seq.s32 s10, $0x1;
	s10 =	sld [smem:$0x3FBA];
	_ =	sdelay $0x3  }
0x34: {  	[smem:$0x3FBA] =	sst s10  }
0x35: {  	s10 =	sld [smem:$0x3FB9];
	_ =	sdelay $0x3  }
0x36: {  	p1 =	seq.s32 s10, $0x1;
	s10 =	sld [smem:$0x3FBA];
	_ =	sdelay $0x3  }
0x37: {  	[smem:$0x3FBA] =	sst s10  }
0x38: {  	s10 =	sld [smem:$0x3FBB]  }
0x39: {  	_ = 	snop;
	(pc) =	sbr.ind lr, $3  }
0x3a: {  	_ = 	snop  }
0x3b: {  	_ = 	snop  }
0x3c: {  	p2 =	seq.s32 s10, $0x1;
	s10 =	sld [smem:$0x3FBA]  }
0x3d: {  	_ =	shalt  }
0x3e: {  	_ =	shalt  }
0x3f: {  	_ =	shalt  }
0x40: {  	_ =	shalt  }
0x41: {  	_ =	shalt  }
0x42: {  	_ =	shalt  }
0x43: {  	_ =	shalt  }
0x44: {  	_ =	shalt  }
0x45: {  	_ =	shalt  }
0x46: {  	_ =	shalt  }
0x47: {  	_ =	shalt  }
0x48: {  	_ =	shalt  }
0x49: {  	_ =	shalt  }
0x4a: {  	_ =	shalt  }
0x4b: {  	_ =	shalt  }
0x4c: {  	_ =	shalt  }
0x4d: {  	_ =	shalt  }
0x4e: {  	_ =	shalt  }
0x4f: {  	_ =	shalt  }
0x50: {  	_ =	shalt  }
0x51: {  	_ =	shalt  }
0x52: {  	_ =	shalt  }
0x53: {  	_ =	shalt  }
0x54: {  	_ =	shalt  }
0x55: {  	_ =	shalt  }
0x56: {  	_ =	shalt  }
0x57: {  	_ =	shalt  }
0x58: {  	_ =	shalt  }
0x59: {  	_ =	shalt  }
0x5a: {  	_ =	shalt  }
0x5b: {  	_ =	shalt  }
0x5c: {  	_ =	shalt  }
0x5d: {  	_ =	shalt  }
0x5e: {  	_ =	shalt  }
0x5f: {  	_ =	shalt  }
0x60: {  	_ =	shalt  }
0x61: {  	_ =	shalt  }
0x62: {  	_ =	shalt  }
0x63: {  	_ =	shalt  }
0x64: {  	_ =	shalt  }
0x65: {  	_ =	shalt  }
0x66: {  	_ =	shalt  }
0x67: {  	_ =	shalt  }
0x68: {  	_ =	shalt  }
0x69: {  	_ =	shalt  }
0x6a: {  	_ =	shalt  }
0x6b: {  	_ =	shalt  }
0x6c: {  	_ =	shalt  }
0x6d: {  	_ =	shalt  }
0x6e: {  	_ =	shalt  }
0x6f: {  	_ =	shalt  }
0x70: {  	_ =	shalt  }
0x71: {  	_ =	shalt  }
0x72: {  	_ =	shalt  }
0x73: {  	_ =	shalt  }
0x74: {  	_ =	shalt  }
0x75: {  	_ =	shalt  }
0x76: {  	_ =	shalt  }
0x77: {  	_ =	shalt  }
0x78: {  	_ =	shalt  }
0x79: {  	_ =	shalt  }
0x7a: {  	_ =	shalt  }
0x7b: {  	_ =	shalt  }
0x7c: {  	_ =	shalt  }
0x7d: {  	_ =	shalt  }
0x7e: {  	_ =	shalt  }
0x7f: {  	_ =	shalt  }
0x80: {  	_ =	shalt  }
0x81: {  	_ =	shalt  }
0x82: {  	_ =	shalt  }
0x83: {  	_ =	shalt  }
0x84: {  	_ =	shalt  }
0x85: {  	_ =	shalt  }
0x86: {  	_ =	shalt  }
0x87: {  	_ =	shalt  }
.Lfunc_end0:
.L_simem_size_0:
called_computation_lowered:
.L_overlay_start_0:
0x88: {  	s2 =	sld [smem:$0x3FD9]  }
0x89: {  	s3 =	sld [smem:$0x3FFE];
	_ =	sdelay $0x1  }
0x8a: {  	s1 =	srdreg.scid  }
0x8b: {  	s0 =	sand.u32 $0x1, s1  }
0x8c: {  	s17 =	sshll.u32 s0, $0xA;
	s2 =	sadd.s32 s3, s2  }
0x8d: {  	s2 =	sadd.s32 s2, s17  }
0x8e: {  	[smem:$0x3FC6] =	sst s2  }
0x8f: {  	_ = 	snop  }
0x90: {  	s2 =	sld [smem:$0x3FD0];
	(tm) =	ssettm $0x1  }
0x91: {  	s18 =	sld [smem:$0x3FFB];
	_ =	sdelay $0x3  }
0x92: {  	_ =	strace s18  }
0x93: {  	s3 =	sld [smem:$0x3FFC];
	_ =	sdelay $0x3  }
0x94: {  	_ =	strace s3  }
0x95: {  	s3 =	sld [smem:$0x3FFD];
	_ =	sdelay $0x3  }
0x96: {  	_ =	strace s3  }
0x97: {  	_ =	strace $0x8FFFFFFF  }
0x98: {  	s19 =	sld [smem:$0x3FDB];
	_ =	sdelay $0x1  }
0x99: {  	s4 =	simm.s32 $_scs_section_size  }
0x9a: {  	s5 =	simm.s32 $_size__tile_overlayer_lowered;
	s6 =	simm.s32 $_tile_overlayer_lowered  }
0x9b: {  	s22 =	simm.s32 $0x1BFF;
	s21 =	sshll.u32 s6, $0x1;
	s3 =	sadd.s32 s4, s19  }
0x9c: {  	s7 =	simm.s32 $0x0;
	s20 =	sshll.u32 s5, $0x1;
	s5 =	sadd.s32 s21, s3  }
0x9d: {  	[timem:s7], [sflag:s22] =	dma.local [hbm:s5], s20  }
0x9e: {  	_ =	swait.ge [sflag:s22], s20  }
0x9f: {  	s4 =	ssub.s32 $0x0, s20;
	[sflag:s22] =	ssyncset.done $0x0  }
0xa0: {  	[sflag:s22] =	ssyncadd.s32 s4;
	_ =	sdelay $0x1  }
0xa1: {  	s23 =	simm.s32 $0x1B8B  }
0xa2: {  	_ =	swait.ge [sflag:s23], $0x1  }
0xa3: {  	[sflag:s23] =	ssyncset.done $0x0  }
0xa4: {  	s25 =	simm.s32 $0x1B8E;
	s24 =	sld [smem:$0x3FFE];
	[sflag:s23] =	ssyncadd.s32 $0xFFFFFFFF  }
0xa5: {  	s26 =	simm.s32 $execute0_lowered;
	[smem:$0x3FD2] =	sst s25  }
0xa6: {  	s5 =	sshll.u32 s26, $0x1;
	_ =	strace $0x80000046;
	[dreg:$0x1] =	wrdreg $0xFFFFFFFF  }
0xa7: {  	s28 =	simm.s32 $_size_execute0_lowered;
	s3 =	sadd.s32 s3, s5;
	[dreg:$0x0] =	wrdreg $0x0  }
0xa8: {  	s5 =	sshll.u32 s28, $0x1;
	[dreg:$0x2] =	wrdreg s3  }
0xa9: {  	[dreg:$0x3] =	wrdreg s5  }
0xaa: {  	[dreg:$0x4] =	wrdreg $0xC0  }
0xab: {  	_ =	task [dreg:s7], $0x5FFFF  }
0xac: {  	[dreg:$0x1] =	wrdreg $0xFFFFFFFF  }
0xad: {  	[dreg:$0x0] =	wrdreg $0x60  }
0xae: {  	[dreg:$0x2] =	wrdreg s24  }
0xaf: {  	[dreg:$0x3] =	wrdreg s2  }
0xb0: {  	[dreg:$0x4] =	wrdreg $0x9  }
0xb1: {  	_ =	task.clear_ibuf [dreg:s7], $0x5FFFF;
	_ =	strace $0x90000046  }
0xb2: {  	s29 =	simm.s32 $0x9;
	_ =	strace $0x80000048  }
0xb3: {  	_ =	swait.ge [sflag:s29], $0x1  }
0xb4: {  	[sflag:s29] =	ssyncadd.s32 $0xFFFFFFFF  }
0xb5: {  	_ =	strace $0x90000048  }
0xb6: {  	_ =	sfence  }
0xb7: {  	s30 =	sld [smem:$0x0];
	_ =	sdelay $0x2  }
0xb8: {  	s31 =	sshll.u32 s1, $0xD;
	s1 =	sshrl.u32 s1, $0x2  }
0xb9: {  	s3 =	sand.u32 $0x4000, s31;
	s1 =	sadd.s32 s1, s30  }
0xba: {  	s0 =	sor.u32 s3, s0;
	s1 =	sshll.u32 s1, $0x11  }
0xbb: {  	s0 =	sor.u32 s1, s0  }
0xbc: {  	s0 =	sadd.s32 $0x8F2B, s0  }
0xbd: {  	[sflag:s0] =	ssyncadd.remote.s32 $0x1  }
0xbe: {  	_ =	sfence.sel $0xFFFF  }
0xbf: {  	[dreg:$0x0] =	wrdreg $0xFFFFFFFF;
	(pc) =	sbr.abs _section_cstart, $3  }
0xc0: {  	[dreg:$0x1] =	wrdreg $0xFFFFFFFF  }
0xc1: {  	_ =	task.clear_ibuf [dreg:s7], $0x2FFFF;
	_ =	strace $0x9FFFFFFF  }
0xc2: {  	(tm) =	ssettm $0x7FFFFFFF  }
0xc3: {  	_ =	shalt  }
tec
execute0_lowered:
.L_overlay_start_1:
0x0: {  	(tag) =	ssettag $0x1  }
0x1: {  	v1 =	vlaneseq.u32  }
0x2: {  	v0 =	vmul.u32 $0x10, v1  }
0x3: {  	v1 =	vmul.u32 $0x80, v1  }
0x4: {  	v2 =	vor.u32 $0x1, v0;
	v3 =	vor.u32 $0x2, v0  }
0x5: {  	v4 =	vor.u32 $0x3, v0;
	v5 =	vor.u32 $0x4, v1;
	v6 =	vor.u32 $0x4, v0  }
0x6: {  	v7 =	vor.u32 $0x5, v0;
	v8 =	vor.u32 $0x6, v0;
	v9 =	vor.u32 $0x7, v0  }
0x7: {  	v10 =	vor.u32 $0x8, v0;
	v11 =	vor.u32 $0x9, v0;
	v12 =	vor.u32 $0xA, v0  }
0x8: {  	v13 =	vor.u32 $0xB, v0;
	v14 =	vor.u32 $0xC, v0;
	v15 =	vor.u32 $0xD, v0  }
0x9: {  	v16 =	vor.u32 $0xE, v0;
	v17 =	vor.u32 $0xF, v0;
	v18 =	vor.u32 $0x800, v1  }
0xa: {  	s4 =	rddreg [dreg:$0x0];
	v19 =	vor.u32 $0x100, v0;
	v20 =	vor.u32 $0x801, v1;
	v21 =	vor.u32 $0x101, v0  }
0xb: {  	s6 =	rddreg [dreg:$0x1];
	v22 =	vor.u32 $0x802, v1;
	v23 =	vor.u32 $0x102, v0;
	v24 =	vor.u32 $0x803, v1  }
0xc: {  	s0 =	rddreg [dreg:$0x2];
	s3 =	srdreg.scid;
	v25 =	vor.u32 $0x103, v0;
	v26 =	vor.u32 $0x804, v1;
	v27 =	vor.u32 $0x104, v0  }
0xd: {  	s1 =	stileid.u32;
	s2 =	simm.s32 $0x0;
	s12 =	simm.s32 $0x1;
	v28 =	vor.u32 $0x805, v1;
	v29 =	vor.u32 $0x105, v0;
	v30 =	vor.u32 $0x806, v1  }
0xe: {  	s13 =	simm.s32 $0xB000;
	s14 =	simm.s32 $0x0;
	s5 =	sand.u32 $0x1, s3;
	v31 =	vor.u32 $0x106, v0;
	v32 =	vor.u32 $0x807, v1;
	v33 =	vor.u32 $0x107, v0  }
0xf: {  	s30 =	sshll.u32 s1, $0x1;
	[smem:$0x7FF] =	sst s2;
	s9 =	smul.u32 $0xD000, s1;
	v34 =	vor.u32 $0x808, v1;
	v35 =	vor.u32 $0x108, v0;
	v36 =	vor.u32 $0x809, v1  }
0x10: {  	s3 =	sor.u32 s5, s30;
	_ =	strace $0x80000047;
	s11 =	smul.u32 $0x6800, s5;
	v37 =	vor.u32 $0x109, v0;
	v38 =	vor.u32 $0x80A, v1;
	v39 =	vor.u32 $0x10A, v0  }
0x11: {  	s8 =	ssub.s32 $0x2, s5;
	s7 =	smul.u32 $0x680, s3;
	s3 =	sadd.s32 $0x27ACC00, s4;
	v40 =	vor.u32 $0x80B, v1;
	v41 =	vor.u32 $0x10B, v0;
	v42 =	vor.u32 $0x80C, v1  }
0x12: {  	s10 =	sshrl.u32 s8, $0x1;
	s31 =	sadd.s32 s9, s6;
	v43 =	vor.u32 $0x10C, v0;
	v44 =	vor.u32 $0x80D, v1;
	v45 =	vor.u32 $0x10D, v0;
	s9 =	simm.s32 $0x6800  }
0x13: {  	v46 =	vor.u32 $0x80E, v1;
	v47 =	vor.u32 $0x10E, v0;
	v48 =	vor.u32 $0x80F, v1;
	s8 =	ssub.s32 s8, s10;
	s10 =	simm.s32 $0x80;
	s7 =	sadd.s32 s7, s4  }
0x14: {  	v49 =	vor.u32 $0x10F, v0;
	v50 =	vor.u32 $0x1000, v1;
	v51 =	vor.u32 $0x200, v0;
	s4 =	sadd.s32 $0xD800, s4;
	s6 =	smax.u32 s8, $0x1;
	s8 =	simm.s32 $0x2  }
0x15: {  	v52 =	vor.u32 $0x1001, v1;
	v53 =	vor.u32 $0x201, v0;
	v54 =	vor.u32 $0x1002, v1;
	s5 =	sadd.s32 $0x800, s7;
	s7 =	sadd.s32 s11, s31;
	s11 =	simm.s32 $0x7000  }
.LBB2_1:
0x16: {  	[tilespmem:s2], [sflag:$0x2] =	stream.linear.gather [hbm4b:s5+s2], $0x3400, $0x38;
	[tilespmem:$0xB800] =	vst v63  }
0x17: {  	_ =	swait.ge [sflag:s8], $0x3400  }
0x18: {  	[sflag:s8] =	ssyncset.done $0x0  }
0x19: {  	[sflag:s8] =	ssyncadd.s32 $0xFFFFCC00  }
0x1a: {  	[tilespmem:s9], [sflag:$0x2] =	stream.linear.gather [hbm4b:s4+s2], $0x680, $0x38;
	[tilespmem:$0xB800] =	vst v63  }
0x1b: {  	s16 =	smul.u32 $0x4F, s2;
	_ =	swait.ge [sflag:s8], $0x680  }
0x1c: {  	[sflag:s8] =	ssyncset.done $0x0  }
0x1d: {  	s15 =	simm.s32 $0x40;
	s16 =	sshrl.u32 s16, $0xA;
	[sflag:s8] =	ssyncadd.s32 $0xFFFFF980  }
0x1e: {  	s16 =	sand.u32 $0x3F, s16;
	v55 =	vld [tilespmem:s15+$0xFFFFFFC0]  }
0x1f: {  	s16 =	smul.u32 $0xD, s16;
	_ =	sdelay $0x1  }
0x20: {  	s16 =	ssub.s32 $0x0, s16  }
0x21: {  	s17 =	sand.u32 $0xFF, s16  }
0x22: {  	s16 =	simm.s32 $0x3440;
	s17 =	sshll.u32 s17, $0x7;
	v56 =	vand.u32 $0x7, v55  }
0x23: {  	s18 =	sor.u32 $0x6800, s17;
	[tilespmem:s16+$0xFFFFFFC0] =	vst v56  }
0x24: {  	v56 =	vld [tilespmem:s18+$0x0]  }
0x25: {  	v57 =	vld [tilespmem:s15+$0xFFFFFFD0];
	_ =	sdelay $0x2  }
0x26: {  	v55 =	vshrl.u32 v55, $0x3  }
0x27: {  	v55 =	vadd.s32 v55, v56  }
0x28: {  	v62 =	vand.u32 $0x7, v57;
	[tilespmem:s15+$0xFFFFFFC0] =	vst v55  }
0x29: {  	s23 =	sor.u32 $0x6810, s17;
	[tilespmem:s16+$0xFFFFFFD0] =	vst v62  }
0x2a: {  	v55 =	vld [tilespmem:s23+$0x0]  }
0x2b: {  	v63 =	vld [tilespmem:s15+$0xFFFFFFE0];
	_ =	sdelay $0x2  }
0x2c: {  	v57 =	vshrl.u32 v57, $0x3  }
0x2d: {  	v55 =	vadd.s32 v57, v55  }
0x2e: {  	v60 =	vand.u32 $0x7, v63;
	[tilespmem:s15+$0xFFFFFFD0] =	vst v55  }
0x2f: {  	s24 =	sor.u32 $0x6820, s17;
	[tilespmem:s16+$0xFFFFFFE0] =	vst v60  }
0x30: {  	v55 =	vld [tilespmem:s24+$0x0]  }
0x31: {  	v61 =	vld [tilespmem:s15+$0xFFFFFFF0];
	_ =	sdelay $0x2  }
0x32: {  	v56 =	vshrl.u32 v63, $0x3  }
0x33: {  	v55 =	vadd.s32 v56, v55  }
0x34: {  	v62 =	vand.u32 $0x7, v61;
	[tilespmem:s15+$0xFFFFFFE0] =	vst v55  }
0x35: {  	s25 =	sor.u32 $0x6830, s17;
	[tilespmem:s16+$0xFFFFFFF0] =	vst v62  }
0x36: {  	v55 =	vld [tilespmem:s25+$0x0]  }
0x37: {  	v63 =	vld [tilespmem:s15+$0x0];
	_ =	sdelay $0x2  }
0x38: {  	v57 =	vshrl.u32 v61, $0x3  }
0x39: {  	v55 =	vadd.s32 v57, v55  }
0x3a: {  	v60 =	vand.u32 $0x7, v63;
	[tilespmem:s15+$0xFFFFFFF0] =	vst v55  }
0x3b: {  	s26 =	sor.u32 $0x6840, s17;
	[tilespmem:s16+$0x0] =	vst v60  }
0x3c: {  	v55 =	vld [tilespmem:s26+$0x0]  }
0x3d: {  	v61 =	vld [tilespmem:s15+$0x10];
	_ =	sdelay $0x2  }
0x3e: {  	v56 =	vshrl.u32 v63, $0x3  }
0x3f: {  	v55 =	vadd.s32 v56, v55  }
0x40: {  	v62 =	vand.u32 $0x7, v61;
	[tilespmem:s15+$0x0] =	vst v55  }
0x41: {  	s28 =	sor.u32 $0x6850, s17;
	[tilespmem:s16+$0x10] =	vst v62  }
0x42: {  	v55 =	vld [tilespmem:s28+$0x0]  }
0x43: {  	v63 =	vld [tilespmem:s15+$0x20];
	_ =	sdelay $0x2  }
0x44: {  	v57 =	vshrl.u32 v61, $0x3  }
0x45: {  	v55 =	vadd.s32 v57, v55  }
0x46: {  	v60 =	vand.u32 $0x7, v63;
	[tilespmem:s15+$0x10] =	vst v55  }
0x47: {  	s29 =	sor.u32 $0x6860, s17;
	[tilespmem:s16+$0x20] =	vst v60  }
0x48: {  	v55 =	vld [tilespmem:s29+$0x0]  }
0x49: {  	v61 =	vld [tilespmem:s15+$0x30];
	_ =	sdelay $0x2  }
0x4a: {  	v56 =	vshrl.u32 v63, $0x3  }
0x4b: {  	s30 =	simm.s32 $0x1;
	v55 =	vadd.s32 v56, v55  }
0x4c: {  	s18 =	smul.u32 $0x4F, s30;
	v62 =	vand.u32 $0x7, v61;
	[tilespmem:s15+$0x20] =	vst v55  }
0x4d: {  	s17 =	sor.u32 $0x6870, s17;
	[tilespmem:s16+$0x30] =	vst v62  }
0x4e: {  	s18 =	sshrl.u32 s18, $0xA;
	v63 =	vld [tilespmem:s17+$0x0]  }
0x4f: {  	s31 =	sand.u32 $0x3F, s18;
	s17 =	simm.s32 $0xC0  }
0x50: {  	s18 =	smul.u32 $0xD, s31;
	v55 =	vld [tilespmem:s17+$0xFFFFFFC0];
	_ =	sdelay $0x1  }
0x51: {  	s18 =	ssub.s32 $0x1, s18;
	v57 =	vshrl.u32 v61, $0x3  }
0x52: {  	s21 =	simm.s32 $0x2;
	s19 =	sand.u32 $0xFF, s18;
	v56 =	vadd.s32 v57, v63  }
.LBB2_2:
0x53: {  	s20 =	sshll.u32 s19, $0x7;
	s16 =	sadd.s32 $0x80, s16  }
0x54: {  	v57 =	vand.u32 $0x7, v55;
	[tilespmem:s15+$0x30] =	vst v56;
	s19 =	smov.u32 s21;
	s18 =	sadd.s32 $0x1, s21;
	s15 =	smov.u32 s17  }
0x55: {  	p0 =	sne.s32 s21, $0x67;
	[tilespmem:s16+$0xFFFFFFC0] =	vst v57;
	s21 =	sor.u32 $0x6800, s20  }
0x56: {  	v56 =	vld [tilespmem:s21+$0x0]  }
0x57: {  	v57 =	vld [tilespmem:s17+$0xFFFFFFD0];
	_ =	sdelay $0x2  }
0x58: {  	v55 =	vshrl.u32 v55, $0x3  }
0x59: {  	v55 =	vadd.s32 v55, v56  }
0x5a: {  	[tilespmem:s17+$0xFFFFFFC0] =	vst v55;
	v55 =	vand.u32 $0x7, v57  }
0x5b: {  	s21 =	sor.u32 $0x6810, s20;
	[tilespmem:s16+$0xFFFFFFD0] =	vst v55  }
0x5c: {  	v55 =	vld [tilespmem:s21+$0x0]  }
0x5d: {  	v56 =	vld [tilespmem:s17+$0xFFFFFFE0];
	_ =	sdelay $0x2  }
0x5e: {  	v57 =	vshrl.u32 v57, $0x3  }
0x5f: {  	v55 =	vadd.s32 v57, v55  }
0x60: {  	[tilespmem:s17+$0xFFFFFFD0] =	vst v55;
	v55 =	vand.u32 $0x7, v56  }
0x61: {  	s21 =	sor.u32 $0x6820, s20;
	[tilespmem:s16+$0xFFFFFFE0] =	vst v55  }
0x62: {  	v55 =	vld [tilespmem:s21+$0x0]  }
0x63: {  	v57 =	vld [tilespmem:s17+$0xFFFFFFF0];
	_ =	sdelay $0x2  }
0x64: {  	v56 =	vshrl.u32 v56, $0x3  }
0x65: {  	v55 =	vadd.s32 v56, v55  }
0x66: {  	[tilespmem:s17+$0xFFFFFFE0] =	vst v55;
	v55 =	vand.u32 $0x7, v57  }
0x67: {  	s21 =	sor.u32 $0x6830, s20;
	[tilespmem:s16+$0xFFFFFFF0] =	vst v55  }
0x68: {  	v55 =	vld [tilespmem:s21+$0x0]  }
0x69: {  	v56 =	vld [tilespmem:s17+$0x0];
	_ =	sdelay $0x2  }
0x6a: {  	v57 =	vshrl.u32 v57, $0x3  }
0x6b: {  	v55 =	vadd.s32 v57, v55  }
0x6c: {  	[tilespmem:s17+$0xFFFFFFF0] =	vst v55;
	v55 =	vand.u32 $0x7, v56  }
0x6d: {  	s21 =	sor.u32 $0x6840, s20;
	[tilespmem:s16+$0x0] =	vst v55  }
0x6e: {  	v55 =	vld [tilespmem:s21+$0x0]  }
0x6f: {  	v57 =	vld [tilespmem:s17+$0x10];
	_ =	sdelay $0x2  }
0x70: {  	v56 =	vshrl.u32 v56, $0x3  }
0x71: {  	v55 =	vadd.s32 v56, v55  }
0x72: {  	[tilespmem:s17+$0x0] =	vst v55;
	v55 =	vand.u32 $0x7, v57  }
0x73: {  	s21 =	sor.u32 $0x6850, s20;
	[tilespmem:s16+$0x10] =	vst v55  }
0x74: {  	v55 =	vld [tilespmem:s21+$0x0]  }
0x75: {  	v56 =	vld [tilespmem:s17+$0x20];
	_ =	sdelay $0x2  }
0x76: {  	v57 =	vshrl.u32 v57, $0x3  }
0x77: {  	v55 =	vadd.s32 v57, v55  }
0x78: {  	[tilespmem:s17+$0x10] =	vst v55;
	v55 =	vand.u32 $0x7, v56  }
0x79: {  	s21 =	sor.u32 $0x6860, s20;
	[tilespmem:s16+$0x20] =	vst v55  }
0x7a: {  	v55 =	vld [tilespmem:s21+$0x0]  }
0x7b: {  	v57 =	vld [tilespmem:s17+$0x30];
	_ =	sdelay $0x2  }
0x7c: {  	v56 =	vshrl.u32 v56, $0x3  }
0x7d: {  	v55 =	vadd.s32 v56, v55  }
0x7e: {  	s21 =	smul.u32 $0x4F, s19;
	[tilespmem:s17+$0x20] =	vst v55;
	v55 =	vand.u32 $0x7, v57  }
0x7f: {  	s20 =	sor.u32 $0x6870, s20;
	[tilespmem:s16+$0x30] =	vst v55  }
0x80: {  	s21 =	sshrl.u32 s21, $0xA;
	s17 =	sadd.s32 $0x80, s17;
	v56 =	vld [tilespmem:s20+$0x0]  }
.Ltmp0:
0x81: {  	s20 =	sand.u32 $0x3F, s21;
	v55 =	vld [tilespmem:s17+$0xFFFFFFC0];
	(pc) =	sbr.rel @p0 .LBB2_2-.Ltmp0, $3  }
0x82: {  	s20 =	smul.u32 $0xD, s20;
	_ =	sdelay $0x1  }
0x83: {  	v57 =	vshrl.u32 v57, $0x3;
	s19 =	ssub.s32 s19, s20  }
0x84: {  	s21 =	smov.u32 s18;
	s19 =	sand.u32 $0xFF, s19;
	v56 =	vadd.s32 v57, v56  }
0x85: {  	v57 =	vand.u32 $0x7, v55;
	s18 =	sshll.u32 s19, $0x7;
	[tilespmem:s15+$0x30] =	vst v56;
	s22 =	sadd.s32 $0x80, s16  }
0x86: {  	[tilespmem:s22+$0xFFFFFFC0] =	vst v57;
	s23 =	sor.u32 $0x6800, s18  }
0x87: {  	v56 =	vld [tilespmem:s23+$0x0]  }
0x88: {  	v57 =	vld [tilespmem:s17+$0xFFFFFFD0];
	_ =	sdelay $0x2  }
0x89: {  	v61 =	vshrl.u32 v55, $0x3  }
0x8a: {  	v55 =	vadd.s32 v61, v56  }
0x8b: {  	v62 =	vand.u32 $0x7, v57;
	[tilespmem:s17+$0xFFFFFFC0] =	vst v55  }
0x8c: {  	s24 =	sor.u32 $0x6810, s18;
	[tilespmem:s22+$0xFFFFFFD0] =	vst v62  }
0x8d: {  	v55 =	vld [tilespmem:s24+$0x0]  }
0x8e: {  	v63 =	vld [tilespmem:s17+$0xFFFFFFE0];
	_ =	sdelay $0x2  }
0x8f: {  	v57 =	vshrl.u32 v57, $0x3  }
0x90: {  	v55 =	vadd.s32 v57, v55  }
0x91: {  	v60 =	vand.u32 $0x7, v63;
	[tilespmem:s17+$0xFFFFFFD0] =	vst v55  }
0x92: {  	s25 =	sor.u32 $0x6820, s18;
	[tilespmem:s22+$0xFFFFFFE0] =	vst v60  }
0x93: {  	v55 =	vld [tilespmem:s25+$0x0]  }
0x94: {  	v61 =	vld [tilespmem:s17+$0xFFFFFFF0];
	_ =	sdelay $0x2  }
0x95: {  	v56 =	vshrl.u32 v63, $0x3  }
0x96: {  	v55 =	vadd.s32 v56, v55  }
0x97: {  	v62 =	vand.u32 $0x7, v61;
	[tilespmem:s17+$0xFFFFFFE0] =	vst v55  }
0x98: {  	s26 =	sor.u32 $0x6830, s18;
	[tilespmem:s22+$0xFFFFFFF0] =	vst v62  }
0x99: {  	v55 =	vld [tilespmem:s26+$0x0]  }
0x9a: {  	v63 =	vld [tilespmem:s17+$0x0];
	_ =	sdelay $0x2  }
0x9b: {  	v57 =	vshrl.u32 v61, $0x3  }
0x9c: {  	v55 =	vadd.s32 v57, v55  }
0x9d: {  	v60 =	vand.u32 $0x7, v63;
	[tilespmem:s17+$0xFFFFFFF0] =	vst v55  }
0x9e: {  	s28 =	sor.u32 $0x6840, s18;
	[tilespmem:s22+$0x0] =	vst v60  }
0x9f: {  	v55 =	vld [tilespmem:s28+$0x0]  }
0xa0: {  	v61 =	vld [tilespmem:s17+$0x10];
	_ =	sdelay $0x2  }
0xa1: {  	v56 =	vshrl.u32 v63, $0x3  }
0xa2: {  	v55 =	vadd.s32 v56, v55  }
0xa3: {  	v62 =	vand.u32 $0x7, v61;
	[tilespmem:s17+$0x0] =	vst v55  }
0xa4: {  	s29 =	sor.u32 $0x6850, s18;
	[tilespmem:s22+$0x10] =	vst v62  }
0xa5: {  	v55 =	vld [tilespmem:s29+$0x0]  }
0xa6: {  	v63 =	vld [tilespmem:s17+$0x20];
	_ =	sdelay $0x2  }
0xa7: {  	v57 =	vshrl.u32 v61, $0x3  }
0xa8: {  	v55 =	vadd.s32 v57, v55  }
0xa9: {  	v60 =	vand.u32 $0x7, v63;
	[tilespmem:s17+$0x10] =	vst v55  }
0xaa: {  	s30 =	sor.u32 $0x6860, s18;
	[tilespmem:s22+$0x20] =	vst v60  }
0xab: {  	v55 =	vld [tilespmem:s30+$0x0]  }
0xac: {  	v61 =	vld [tilespmem:s17+$0x30];
	_ =	sdelay $0x2  }
0xad: {  	v56 =	vshrl.u32 v63, $0x3  }
0xae: {  	v55 =	vadd.s32 v56, v55  }
0xaf: {  	v62 =	vand.u32 $0x7, v61;
	[tilespmem:s17+$0x20] =	vst v55  }
0xb0: {  	s31 =	sor.u32 $0x6870, s18;
	[tilespmem:s22+$0x30] =	vst v62  }
0xb1: {  	v55 =	vld [tilespmem:s31+$0x0];
	_ =	sdelay $0x3  }
0xb2: {  	v63 =	vshrl.u32 v61, $0x3  }
0xb3: {  	v55 =	vadd.s32 v63, v55  }
0xb4: {  	s15 =	simm.s32 $0x0;
	s16 =	smov.u32 s7;
	[tilespmem:s17+$0x30] =	vst v55  }
.LBB2_4:
0xb5: {  	s17 =	sshra.s32 s15, $0x2  }
0xb6: {  	[tilespmem:s11], [sflag:$0x1] =	stream.indirect.gather [hbm4b:s3+s10], $0x80, s17, s10, $0xb8;
	[tilespmem:$0xB800] =	vst v63  }
0xb7: {  	_ =	swait.ge [sflag:s12], $0x4000  }
0xb8: {  	[sflag:s12] =	ssyncset.done $0x0  }
0xb9: {  	[sflag:s12] =	ssyncadd.s32 $0xFFFFC000  }
0xba: {  	v55 =	vld [tilespmem:s17+$0x3400];
	_ =	sdelay $0x4  }
0xbb: {  	v55 =	vshll.u32 v55, $0x4  }
0xbc: {  	v56 =	vadd.s32 v1, v55;
	_ =	sdelay $0x4  }
0xbd: {  	v57 =	vld.idx.msk [tilespmem:v56+s11+$0x0], $0xffff  }
0xbe: {  	v58 =	vor.u32 $0x1, v56;
	_ =	sdelay $0x3  }
0xbf: {  	[tilespmem:v0+s13+$0x0] =	vst.idx.msk $0xffff, v57  }
0xc0: {  	v57 =	vld.idx.msk [tilespmem:v58+s11+$0x0], $0xffff  }
0xc1: {  	v63 =	vor.u32 $0x2, v56;
	_ =	sdelay $0x3  }
0xc2: {  	[tilespmem:v2+s13+$0x0] =	vst.idx.msk $0xffff, v57  }
0xc3: {  	v57 =	vld.idx.msk [tilespmem:v63+s11+$0x0], $0xffff  }
0xc4: {  	v60 =	vor.u32 $0x3, v56;
	_ =	sdelay $0x3  }
0xc5: {  	[tilespmem:v3+s13+$0x0] =	vst.idx.msk $0xffff, v57  }
0xc6: {  	v57 =	vld.idx.msk [tilespmem:v60+s11+$0x0], $0xffff  }
0xc7: {  	v55 =	vadd.s32 v5, v55;
	_ =	sdelay $0x3  }
0xc8: {  	[tilespmem:v4+s13+$0x0] =	vst.idx.msk $0xffff, v57  }
0xc9: {  	v55 =	vld.idx.msk [tilespmem:v55+s11+$0x0], $0xffff  }
0xca: {  	v61 =	vor.u32 $0x5, v56;
	_ =	sdelay $0x3  }
0xcb: {  	[tilespmem:v6+s13+$0x0] =	vst.idx.msk $0xffff, v55  }
0xcc: {  	v55 =	vld.idx.msk [tilespmem:v61+s11+$0x0], $0xffff  }
0xcd: {  	v62 =	vor.u32 $0x6, v56;
	_ =	sdelay $0x3  }
0xce: {  	[tilespmem:v7+s13+$0x0] =	vst.idx.msk $0xffff, v55  }
0xcf: {  	v55 =	vld.idx.msk [tilespmem:v62+s11+$0x0], $0xffff  }
0xd0: {  	v63 =	vor.u32 $0x7, v56;
	_ =	sdelay $0x3  }
0xd1: {  	[tilespmem:v8+s13+$0x0] =	vst.idx.msk $0xffff, v55  }
0xd2: {  	v55 =	vld.idx.msk [tilespmem:v63+s11+$0x0], $0xffff  }
0xd3: {  	v60 =	vor.u32 $0x8, v56;
	_ =	sdelay $0x3  }
0xd4: {  	[tilespmem:v9+s13+$0x0] =	vst.idx.msk $0xffff, v55  }
0xd5: {  	v55 =	vld.idx.msk [tilespmem:v60+s11+$0x0], $0xffff  }
0xd6: {  	v61 =	vor.u32 $0x9, v56;
	_ =	sdelay $0x3  }
0xd7: {  	[tilespmem:v10+s13+$0x0] =	vst.idx.msk $0xffff, v55  }
0xd8: {  	v55 =	vld.idx.msk [tilespmem:v61+s11+$0x0], $0xffff  }
0xd9: {  	v62 =	vor.u32 $0xA, v56;
	_ =	sdelay $0x3  }
0xda: {  	[tilespmem:v11+s13+$0x0] =	vst.idx.msk $0xffff, v55  }
0xdb: {  	v55 =	vld.idx.msk [tilespmem:v62+s11+$0x0], $0xffff  }
0xdc: {  	v63 =	vor.u32 $0xB, v56;
	_ =	sdelay $0x3  }
0xdd: {  	[tilespmem:v12+s13+$0x0] =	vst.idx.msk $0xffff, v55  }
0xde: {  	v55 =	vld.idx.msk [tilespmem:v63+s11+$0x0], $0xffff  }
0xdf: {  	v60 =	vor.u32 $0xC, v56;
	_ =	sdelay $0x3  }
0xe0: {  	[tilespmem:v13+s13+$0x0] =	vst.idx.msk $0xffff, v55  }
0xe1: {  	v55 =	vld.idx.msk [tilespmem:v60+s11+$0x0], $0xffff  }
0xe2: {  	v61 =	vor.u32 $0xD, v56;
	_ =	sdelay $0x3  }
0xe3: {  	[tilespmem:v14+s13+$0x0] =	vst.idx.msk $0xffff, v55  }
0xe4: {  	v55 =	vld.idx.msk [tilespmem:v61+s11+$0x0], $0xffff  }
0xe5: {  	v62 =	vor.u32 $0xE, v56;
	_ =	sdelay $0x3  }
0xe6: {  	[tilespmem:v15+s13+$0x0] =	vst.idx.msk $0xffff, v55  }
0xe7: {  	v55 =	vld.idx.msk [tilespmem:v62+s11+$0x0], $0xffff  }
0xe8: {  	v56 =	vor.u32 $0xF, v56;
	_ =	sdelay $0x3  }
0xe9: {  	[tilespmem:v16+s13+$0x0] =	vst.idx.msk $0xffff, v55  }
0xea: {  	v55 =	vld.idx.msk [tilespmem:v56+s11+$0x0], $0xffff;
	_ =	sdelay $0x4  }
0xeb: {  	[tilespmem:v17+s13+$0x0] =	vst.idx.msk $0xffff, v55  }
0xec: {  	v55 =	vld [tilespmem:s17+$0x3410];
	_ =	sdelay $0x4  }
0xed: {  	v55 =	vshll.u32 v55, $0x4  }
0xee: {  	v63 =	vadd.s32 v18, v55;
	_ =	sdelay $0x4  }
0xef: {  	v56 =	vld.idx.msk [tilespmem:v63+s11+$0x0], $0xffff  }
0xf0: {  	v60 =	vadd.s32 v20, v55;
	_ =	sdelay $0x3  }
0xf1: {  	[tilespmem:v19+s13+$0x0] =	vst.idx.msk $0xffff, v56  }
0xf2: {  	v56 =	vld.idx.msk [tilespmem:v60+s11+$0x0], $0xffff  }
0xf3: {  	v61 =	vadd.s32 v22, v55;
	_ =	sdelay $0x3  }
0xf4: {  	[tilespmem:v21+s13+$0x0] =	vst.idx.msk $0xffff, v56  }
0xf5: {  	v56 =	vld.idx.msk [tilespmem:v61+s11+$0x0], $0xffff  }
0xf6: {  	v62 =	vadd.s32 v24, v55;
	_ =	sdelay $0x3  }
0xf7: {  	[tilespmem:v23+s13+$0x0] =	vst.idx.msk $0xffff, v56  }
0xf8: {  	v56 =	vld.idx.msk [tilespmem:v62+s11+$0x0], $0xffff  }
0xf9: {  	v63 =	vadd.s32 v26, v55;
	_ =	sdelay $0x3  }
0xfa: {  	[tilespmem:v25+s13+$0x0] =	vst.idx.msk $0xffff, v56  }
0xfb: {  	v56 =	vld.idx.msk [tilespmem:v63+s11+$0x0], $0xffff  }
0xfc: {  	v60 =	vadd.s32 v28, v55;
	_ =	sdelay $0x3  }
0xfd: {  	[tilespmem:v27+s13+$0x0] =	vst.idx.msk $0xffff, v56  }
0xfe: {  	v56 =	vld.idx.msk [tilespmem:v60+s11+$0x0], $0xffff  }
0xff: {  	v61 =	vadd.s32 v30, v55;
	_ =	sdelay $0x3  }
0x100: {  	[tilespmem:v29+s13+$0x0] =	vst.idx.msk $0xffff, v56  }
0x101: {  	v56 =	vld.idx.msk [tilespmem:v61+s11+$0x0], $0xffff  }
0x102: {  	v62 =	vadd.s32 v32, v55;
	_ =	sdelay $0x3  }
0x103: {  	[tilespmem:v31+s13+$0x0] =	vst.idx.msk $0xffff, v56  }
0x104: {  	v56 =	vld.idx.msk [tilespmem:v62+s11+$0x0], $0xffff  }
0x105: {  	v63 =	vadd.s32 v34, v55;
	_ =	sdelay $0x3  }
0x106: {  	[tilespmem:v33+s13+$0x0] =	vst.idx.msk $0xffff, v56  }
0x107: {  	v56 =	vld.idx.msk [tilespmem:v63+s11+$0x0], $0xffff  }
0x108: {  	v60 =	vadd.s32 v36, v55;
	_ =	sdelay $0x3  }
0x109: {  	[tilespmem:v35+s13+$0x0] =	vst.idx.msk $0xffff, v56  }
0x10a: {  	v56 =	vld.idx.msk [tilespmem:v60+s11+$0x0], $0xffff  }
0x10b: {  	v61 =	vadd.s32 v38, v55;
	_ =	sdelay $0x3  }
0x10c: {  	[tilespmem:v37+s13+$0x0] =	vst.idx.msk $0xffff, v56  }
0x10d: {  	v56 =	vld.idx.msk [tilespmem:v61+s11+$0x0], $0xffff  }
0x10e: {  	v62 =	vadd.s32 v40, v55;
	_ =	sdelay $0x3  }
0x10f: {  	[tilespmem:v39+s13+$0x0] =	vst.idx.msk $0xffff, v56  }
0x110: {  	v56 =	vld.idx.msk [tilespmem:v62+s11+$0x0], $0xffff  }
0x111: {  	v63 =	vadd.s32 v42, v55;
	_ =	sdelay $0x3  }
0x112: {  	[tilespmem:v41+s13+$0x0] =	vst.idx.msk $0xffff, v56  }
0x113: {  	v56 =	vld.idx.msk [tilespmem:v63+s11+$0x0], $0xffff  }
0x114: {  	v60 =	vadd.s32 v44, v55;
	_ =	sdelay $0x3  }
0x115: {  	[tilespmem:v43+s13+$0x0] =	vst.idx.msk $0xffff, v56  }
0x116: {  	v56 =	vld.idx.msk [tilespmem:v60+s11+$0x0], $0xffff  }
0x117: {  	v61 =	vadd.s32 v46, v55;
	_ =	sdelay $0x3  }
0x118: {  	[tilespmem:v45+s13+$0x0] =	vst.idx.msk $0xffff, v56  }
0x119: {  	v56 =	vld.idx.msk [tilespmem:v61+s11+$0x0], $0xffff  }
0x11a: {  	v55 =	vadd.s32 v48, v55;
	_ =	sdelay $0x3  }
0x11b: {  	[tilespmem:v47+s13+$0x0] =	vst.idx.msk $0xffff, v56  }
0x11c: {  	v55 =	vld.idx.msk [tilespmem:v55+s11+$0x0], $0xffff;
	_ =	sdelay $0x4  }
0x11d: {  	[tilespmem:v49+s13+$0x0] =	vst.idx.msk $0xffff, v55  }
0x11e: {  	v55 =	vld [tilespmem:s17+$0x3420];
	_ =	sdelay $0x4  }
0x11f: {  	v55 =	vshll.u32 v55, $0x4  }
0x120: {  	v62 =	vadd.s32 v50, v55;
	_ =	sdelay $0x4  }
0x121: {  	v56 =	vld.idx.msk [tilespmem:v62+s11+$0x0], $0xffff  }
0x122: {  	v63 =	vadd.s32 v52, v55;
	_ =	sdelay $0x3  }
0x123: {  	[tilespmem:v51+s13+$0x0] =	vst.idx.msk $0xffff, v56  }
0x124: {  	v56 =	vld.idx.msk [tilespmem:v63+s11+$0x0], $0xffff  }
0x125: {  	v60 =	vadd.s32 v54, v55;
	_ =	sdelay $0x3  }
0x126: {  	[tilespmem:v53+s13+$0x0] =	vst.idx.msk $0xffff, v56  }
0x127: {  	v61 =	vor.u32 $0x202, v0;
	v62 =	vor.u32 $0x1003, v1;
	v56 =	vld.idx.msk [tilespmem:v60+s11+$0x0], $0xffff  }
0x128: {  	v58 =	vadd.s32 v62, v55;
	_ =	sdelay $0x3  }
0x129: {  	[tilespmem:v61+s13+$0x0] =	vst.idx.msk $0xffff, v56  }
0x12a: {  	v63 =	vor.u32 $0x203, v0;
	v60 =	vor.u32 $0x1004, v1;
	v56 =	vld.idx.msk [tilespmem:v58+s11+$0x0], $0xffff  }
0x12b: {  	v58 =	vadd.s32 v60, v55;
	_ =	sdelay $0x3  }
0x12c: {  	[tilespmem:v63+s13+$0x0] =	vst.idx.msk $0xffff, v56  }
0x12d: {  	v62 =	vor.u32 $0x1005, v1;
	v61 =	vor.u32 $0x204, v0;
	v56 =	vld.idx.msk [tilespmem:v58+s11+$0x0], $0xffff  }
0x12e: {  	v58 =	vadd.s32 v62, v55;
	_ =	sdelay $0x3  }
0x12f: {  	[tilespmem:v61+s13+$0x0] =	vst.idx.msk $0xffff, v56  }
0x130: {  	v60 =	vor.u32 $0x1006, v1;
	v63 =	vor.u32 $0x205, v0;
	v56 =	vld.idx.msk [tilespmem:v58+s11+$0x0], $0xffff  }
0x131: {  	v58 =	vadd.s32 v60, v55;
	_ =	sdelay $0x3  }
0x132: {  	[tilespmem:v63+s13+$0x0] =	vst.idx.msk $0xffff, v56  }
0x133: {  	v62 =	vor.u32 $0x1007, v1;
	v61 =	vor.u32 $0x206, v0;
	v56 =	vld.idx.msk [tilespmem:v58+s11+$0x0], $0xffff  }
0x134: {  	v58 =	vadd.s32 v62, v55;
	_ =	sdelay $0x3  }
0x135: {  	[tilespmem:v61+s13+$0x0] =	vst.idx.msk $0xffff, v56  }
0x136: {  	v60 =	vor.u32 $0x1008, v1;
	v63 =	vor.u32 $0x207, v0;
	v56 =	vld.idx.msk [tilespmem:v58+s11+$0x0], $0xffff  }
0x137: {  	v58 =	vadd.s32 v60, v55;
	_ =	sdelay $0x3  }
0x138: {  	[tilespmem:v63+s13+$0x0] =	vst.idx.msk $0xffff, v56  }
0x139: {  	v62 =	vor.u32 $0x1009, v1;
	v61 =	vor.u32 $0x208, v0;
	v56 =	vld.idx.msk [tilespmem:v58+s11+$0x0], $0xffff  }
0x13a: {  	v58 =	vadd.s32 v62, v55;
	_ =	sdelay $0x3  }
0x13b: {  	[tilespmem:v61+s13+$0x0] =	vst.idx.msk $0xffff, v56  }
0x13c: {  	v60 =	vor.u32 $0x100A, v1;
	v63 =	vor.u32 $0x209, v0;
	v56 =	vld.idx.msk [tilespmem:v58+s11+$0x0], $0xffff  }
0x13d: {  	v58 =	vadd.s32 v60, v55;
	_ =	sdelay $0x3  }
0x13e: {  	[tilespmem:v63+s13+$0x0] =	vst.idx.msk $0xffff, v56  }
0x13f: {  	v62 =	vor.u32 $0x100B, v1;
	v61 =	vor.u32 $0x20A, v0;
	v56 =	vld.idx.msk [tilespmem:v58+s11+$0x0], $0xffff  }
0x140: {  	v58 =	vadd.s32 v62, v55;
	_ =	sdelay $0x3  }
0x141: {  	[tilespmem:v61+s13+$0x0] =	vst.idx.msk $0xffff, v56  }
0x142: {  	v60 =	vor.u32 $0x100C, v1;
	v63 =	vor.u32 $0x20B, v0;
	v56 =	vld.idx.msk [tilespmem:v58+s11+$0x0], $0xffff  }
0x143: {  	v58 =	vadd.s32 v60, v55;
	_ =	sdelay $0x3  }
0x144: {  	[tilespmem:v63+s13+$0x0] =	vst.idx.msk $0xffff, v56  }
0x145: {  	v62 =	vor.u32 $0x100D, v1;
	v61 =	vor.u32 $0x20C, v0;
	v56 =	vld.idx.msk [tilespmem:v58+s11+$0x0], $0xffff  }
0x146: {  	v58 =	vadd.s32 v62, v55;
	_ =	sdelay $0x3  }
0x147: {  	[tilespmem:v61+s13+$0x0] =	vst.idx.msk $0xffff, v56  }
0x148: {  	v60 =	vor.u32 $0x100E, v1;
	v63 =	vor.u32 $0x20D, v0;
	v56 =	vld.idx.msk [tilespmem:v58+s11+$0x0], $0xffff  }
0x149: {  	v58 =	vadd.s32 v60, v55;
	_ =	sdelay $0x3  }
0x14a: {  	[tilespmem:v63+s13+$0x0] =	vst.idx.msk $0xffff, v56  }
0x14b: {  	v62 =	vor.u32 $0x100F, v1;
	v61 =	vor.u32 $0x20E, v0;
	v56 =	vld.idx.msk [tilespmem:v58+s11+$0x0], $0xffff  }
0x14c: {  	v55 =	vadd.s32 v62, v55;
	_ =	sdelay $0x3  }
0x14d: {  	[tilespmem:v61+s13+$0x0] =	vst.idx.msk $0xffff, v56  }
0x14e: {  	v63 =	vor.u32 $0x20F, v0;
	v55 =	vld.idx.msk [tilespmem:v55+s11+$0x0], $0xffff;
	_ =	sdelay $0x4  }
0x14f: {  	[tilespmem:v63+s13+$0x0] =	vst.idx.msk $0xffff, v55  }
0x150: {  	v55 =	vld [tilespmem:s17+$0x3430];
	_ =	sdelay $0x4  }
0x151: {  	v60 =	vor.u32 $0x1800, v1;
	v55 =	vshll.u32 v55, $0x4  }
0x152: {  	v56 =	vadd.s32 v60, v55;
	_ =	sdelay $0x4  }
0x153: {  	v62 =	vor.u32 $0x1801, v1;
	v61 =	vor.u32 $0x300, v0;
	v56 =	vld.idx.msk [tilespmem:v56+s11+$0x0], $0xffff  }
0x154: {  	v58 =	vadd.s32 v62, v55;
	_ =	sdelay $0x3  }
0x155: {  	[tilespmem:v61+s13+$0x0] =	vst.idx.msk $0xffff, v56  }
0x156: {  	v63 =	vor.u32 $0x301, v0;
	v60 =	vor.u32 $0x1802, v1;
	v56 =	vld.idx.msk [tilespmem:v58+s11+$0x0], $0xffff  }
0x157: {  	v58 =	vadd.s32 v60, v55;
	_ =	sdelay $0x3  }
0x158: {  	[tilespmem:v63+s13+$0x0] =	vst.idx.msk $0xffff, v56  }
0x159: {  	v62 =	vor.u32 $0x1803, v1;
	v61 =	vor.u32 $0x302, v0;
	v56 =	vld.idx.msk [tilespmem:v58+s11+$0x0], $0xffff  }
0x15a: {  	v58 =	vadd.s32 v62, v55;
	_ =	sdelay $0x3  }
0x15b: {  	[tilespmem:v61+s13+$0x0] =	vst.idx.msk $0xffff, v56  }
0x15c: {  	v60 =	vor.u32 $0x1804, v1;
	v63 =	vor.u32 $0x303, v0;
	v56 =	vld.idx.msk [tilespmem:v58+s11+$0x0], $0xffff  }
0x15d: {  	v58 =	vadd.s32 v60, v55;
	_ =	sdelay $0x3  }
0x15e: {  	[tilespmem:v63+s13+$0x0] =	vst.idx.msk $0xffff, v56  }
0x15f: {  	v62 =	vor.u32 $0x1805, v1;
	v61 =	vor.u32 $0x304, v0;
	v56 =	vld.idx.msk [tilespmem:v58+s11+$0x0], $0xffff  }
0x160: {  	v58 =	vadd.s32 v62, v55;
	_ =	sdelay $0x3  }
0x161: {  	[tilespmem:v61+s13+$0x0] =	vst.idx.msk $0xffff, v56  }
0x162: {  	v60 =	vor.u32 $0x1806, v1;
	v63 =	vor.u32 $0x305, v0;
	v56 =	vld.idx.msk [tilespmem:v58+s11+$0x0], $0xffff  }
0x163: {  	v58 =	vadd.s32 v60, v55;
	_ =	sdelay $0x3  }
0x164: {  	[tilespmem:v63+s13+$0x0] =	vst.idx.msk $0xffff, v56  }
0x165: {  	v62 =	vor.u32 $0x1807, v1;
	v61 =	vor.u32 $0x306, v0;
	v56 =	vld.idx.msk [tilespmem:v58+s11+$0x0], $0xffff  }
0x166: {  	v58 =	vadd.s32 v62, v55;
	_ =	sdelay $0x3  }
0x167: {  	[tilespmem:v61+s13+$0x0] =	vst.idx.msk $0xffff, v56  }
0x168: {  	v60 =	vor.u32 $0x1808, v1;
	v63 =	vor.u32 $0x307, v0;
	v56 =	vld.idx.msk [tilespmem:v58+s11+$0x0], $0xffff  }
0x169: {  	v58 =	vadd.s32 v60, v55;
	_ =	sdelay $0x3  }
0x16a: {  	[tilespmem:v63+s13+$0x0] =	vst.idx.msk $0xffff, v56  }
0x16b: {  	v62 =	vor.u32 $0x1809, v1;
	v61 =	vor.u32 $0x308, v0;
	v56 =	vld.idx.msk [tilespmem:v58+s11+$0x0], $0xffff  }
0x16c: {  	v58 =	vadd.s32 v62, v55;
	_ =	sdelay $0x3  }
0x16d: {  	[tilespmem:v61+s13+$0x0] =	vst.idx.msk $0xffff, v56  }
0x16e: {  	v60 =	vor.u32 $0x180A, v1;
	v63 =	vor.u32 $0x309, v0;
	v56 =	vld.idx.msk [tilespmem:v58+s11+$0x0], $0xffff  }
0x16f: {  	v58 =	vadd.s32 v60, v55;
	_ =	sdelay $0x3  }
0x170: {  	[tilespmem:v63+s13+$0x0] =	vst.idx.msk $0xffff, v56  }
0x171: {  	v62 =	vor.u32 $0x180B, v1;
	v61 =	vor.u32 $0x30A, v0;
	v56 =	vld.idx.msk [tilespmem:v58+s11+$0x0], $0xffff  }
0x172: {  	v58 =	vadd.s32 v62, v55;
	_ =	sdelay $0x3  }
0x173: {  	[tilespmem:v61+s13+$0x0] =	vst.idx.msk $0xffff, v56  }
0x174: {  	v60 =	vor.u32 $0x180C, v1;
	v63 =	vor.u32 $0x30B, v0;
	v56 =	vld.idx.msk [tilespmem:v58+s11+$0x0], $0xffff  }
0x175: {  	v58 =	vadd.s32 v60, v55;
	_ =	sdelay $0x3  }
0x176: {  	[tilespmem:v63+s13+$0x0] =	vst.idx.msk $0xffff, v56  }
0x177: {  	v62 =	vor.u32 $0x180D, v1;
	v61 =	vor.u32 $0x30C, v0;
	v56 =	vld.idx.msk [tilespmem:v58+s11+$0x0], $0xffff  }
0x178: {  	v58 =	vadd.s32 v62, v55;
	_ =	sdelay $0x3  }
0x179: {  	[tilespmem:v61+s13+$0x0] =	vst.idx.msk $0xffff, v56  }
0x17a: {  	v60 =	vor.u32 $0x180E, v1;
	v63 =	vor.u32 $0x30D, v0;
	v56 =	vld.idx.msk [tilespmem:v58+s11+$0x0], $0xffff  }
0x17b: {  	v58 =	vadd.s32 v60, v55;
	_ =	sdelay $0x3  }
0x17c: {  	[tilespmem:v63+s13+$0x0] =	vst.idx.msk $0xffff, v56  }
0x17d: {  	v62 =	vor.u32 $0x180F, v1;
	v61 =	vor.u32 $0x30E, v0;
	v56 =	vld.idx.msk [tilespmem:v58+s11+$0x0], $0xffff  }
0x17e: {  	v55 =	vadd.s32 v62, v55;
	_ =	sdelay $0x3  }
0x17f: {  	[tilespmem:v61+s13+$0x0] =	vst.idx.msk $0xffff, v56  }
0x180: {  	v63 =	vor.u32 $0x30F, v0;
	v55 =	vld.idx.msk [tilespmem:v55+s11+$0x0], $0xffff;
	_ =	sdelay $0x4  }
0x181: {  	[tilespmem:v63+s13+$0x0] =	vst.idx.msk $0xffff, v55  }
0x182: {  	v55 =	vld [tilespmem:s17+$0x3440];
	_ =	sdelay $0x4  }
0x183: {  	v60 =	vor.u32 $0x2000, v1;
	v55 =	vshll.u32 v55, $0x4  }
0x184: {  	v56 =	vadd.s32 v60, v55;
	_ =	sdelay $0x4  }
0x185: {  	v62 =	vor.u32 $0x2001, v1;
	v61 =	vor.u32 $0x400, v0;
	v56 =	vld.idx.msk [tilespmem:v56+s11+$0x0], $0xffff  }
0x186: {  	v58 =	vadd.s32 v62, v55;
	_ =	sdelay $0x3  }
0x187: {  	[tilespmem:v61+s13+$0x0] =	vst.idx.msk $0xffff, v56  }
0x188: {  	v63 =	vor.u32 $0x401, v0;
	v60 =	vor.u32 $0x2002, v1;
	v56 =	vld.idx.msk [tilespmem:v58+s11+$0x0], $0xffff  }
0x189: {  	v58 =	vadd.s32 v60, v55;
	_ =	sdelay $0x3  }
0x18a: {  	[tilespmem:v63+s13+$0x0] =	vst.idx.msk $0xffff, v56  }
0x18b: {  	v62 =	vor.u32 $0x2003, v1;
	v61 =	vor.u32 $0x402, v0;
	v56 =	vld.idx.msk [tilespmem:v58+s11+$0x0], $0xffff  }
0x18c: {  	v58 =	vadd.s32 v62, v55;
	_ =	sdelay $0x3  }
0x18d: {  	[tilespmem:v61+s13+$0x0] =	vst.idx.msk $0xffff, v56  }
0x18e: {  	v60 =	vor.u32 $0x2004, v1;
	v63 =	vor.u32 $0x403, v0;
	v56 =	vld.idx.msk [tilespmem:v58+s11+$0x0], $0xffff  }
0x18f: {  	v58 =	vadd.s32 v60, v55;
	_ =	sdelay $0x3  }
0x190: {  	[tilespmem:v63+s13+$0x0] =	vst.idx.msk $0xffff, v56  }
0x191: {  	v62 =	vor.u32 $0x2005, v1;
	v61 =	vor.u32 $0x404, v0;
	v56 =	vld.idx.msk [tilespmem:v58+s11+$0x0], $0xffff  }
0x192: {  	v58 =	vadd.s32 v62, v55;
	_ =	sdelay $0x3  }
0x193: {  	[tilespmem:v61+s13+$0x0] =	vst.idx.msk $0xffff, v56  }
0x194: {  	v60 =	vor.u32 $0x2006, v1;
	v63 =	vor.u32 $0x405, v0;
	v56 =	vld.idx.msk [tilespmem:v58+s11+$0x0], $0xffff  }
0x195: {  	v58 =	vadd.s32 v60, v55;
	_ =	sdelay $0x3  }
0x196: {  	[tilespmem:v63+s13+$0x0] =	vst.idx.msk $0xffff, v56  }
0x197: {  	v62 =	vor.u32 $0x2007, v1;
	v61 =	vor.u32 $0x406, v0;
	v56 =	vld.idx.msk [tilespmem:v58+s11+$0x0], $0xffff  }
0x198: {  	v58 =	vadd.s32 v62, v55;
	_ =	sdelay $0x3  }
0x199: {  	[tilespmem:v61+s13+$0x0] =	vst.idx.msk $0xffff, v56  }
0x19a: {  	v60 =	vor.u32 $0x2008, v1;
	v63 =	vor.u32 $0x407, v0;
	v56 =	vld.idx.msk [tilespmem:v58+s11+$0x0], $0xffff  }
0x19b: {  	v58 =	vadd.s32 v60, v55;
	_ =	sdelay $0x3  }
0x19c: {  	[tilespmem:v63+s13+$0x0] =	vst.idx.msk $0xffff, v56  }
0x19d: {  	v62 =	vor.u32 $0x2009, v1;
	v61 =	vor.u32 $0x408, v0;
	v56 =	vld.idx.msk [tilespmem:v58+s11+$0x0], $0xffff  }
0x19e: {  	v58 =	vadd.s32 v62, v55;
	_ =	sdelay $0x3  }
0x19f: {  	[tilespmem:v61+s13+$0x0] =	vst.idx.msk $0xffff, v56  }
0x1a0: {  	v60 =	vor.u32 $0x200A, v1;
	v63 =	vor.u32 $0x409, v0;
	v56 =	vld.idx.msk [tilespmem:v58+s11+$0x0], $0xffff  }
0x1a1: {  	v58 =	vadd.s32 v60, v55;
	_ =	sdelay $0x3  }
0x1a2: {  	[tilespmem:v63+s13+$0x0] =	vst.idx.msk $0xffff, v56  }
0x1a3: {  	v62 =	vor.u32 $0x200B, v1;
	v61 =	vor.u32 $0x40A, v0;
	v56 =	vld.idx.msk [tilespmem:v58+s11+$0x0], $0xffff  }
0x1a4: {  	v58 =	vadd.s32 v62, v55;
	_ =	sdelay $0x3  }
0x1a5: {  	[tilespmem:v61+s13+$0x0] =	vst.idx.msk $0xffff, v56  }
0x1a6: {  	v60 =	vor.u32 $0x200C, v1;
	v63 =	vor.u32 $0x40B, v0;
	v56 =	vld.idx.msk [tilespmem:v58+s11+$0x0], $0xffff  }
0x1a7: {  	v58 =	vadd.s32 v60, v55;
	_ =	sdelay $0x3  }
0x1a8: {  	[tilespmem:v63+s13+$0x0] =	vst.idx.msk $0xffff, v56  }
0x1a9: {  	v62 =	vor.u32 $0x200D, v1;
	v61 =	vor.u32 $0x40C, v0;
	v56 =	vld.idx.msk [tilespmem:v58+s11+$0x0], $0xffff  }
0x1aa: {  	v58 =	vadd.s32 v62, v55;
	_ =	sdelay $0x3  }
0x1ab: {  	[tilespmem:v61+s13+$0x0] =	vst.idx.msk $0xffff, v56  }
0x1ac: {  	v60 =	vor.u32 $0x200E, v1;
	v63 =	vor.u32 $0x40D, v0;
	v56 =	vld.idx.msk [tilespmem:v58+s11+$0x0], $0xffff  }
0x1ad: {  	v58 =	vadd.s32 v60, v55;
	_ =	sdelay $0x3  }
0x1ae: {  	[tilespmem:v63+s13+$0x0] =	vst.idx.msk $0xffff, v56  }
0x1af: {  	v62 =	vor.u32 $0x200F, v1;
	v61 =	vor.u32 $0x40E, v0;
	v56 =	vld.idx.msk [tilespmem:v58+s11+$0x0], $0xffff  }
0x1b0: {  	v55 =	vadd.s32 v62, v55;
	_ =	sdelay $0x3  }
0x1b1: {  	[tilespmem:v61+s13+$0x0] =	vst.idx.msk $0xffff, v56  }
0x1b2: {  	v63 =	vor.u32 $0x40F, v0;
	v55 =	vld.idx.msk [tilespmem:v55+s11+$0x0], $0xffff;
	_ =	sdelay $0x4  }
0x1b3: {  	[tilespmem:v63+s13+$0x0] =	vst.idx.msk $0xffff, v55  }
0x1b4: {  	v55 =	vld [tilespmem:s17+$0x3450];
	_ =	sdelay $0x4  }
0x1b5: {  	v60 =	vor.u32 $0x2800, v1;
	v55 =	vshll.u32 v55, $0x4  }
0x1b6: {  	v56 =	vadd.s32 v60, v55;
	_ =	sdelay $0x4  }
0x1b7: {  	v62 =	vor.u32 $0x2801, v1;
	v61 =	vor.u32 $0x500, v0;
	v56 =	vld.idx.msk [tilespmem:v56+s11+$0x0], $0xffff  }
0x1b8: {  	v58 =	vadd.s32 v62, v55;
	_ =	sdelay $0x3  }
0x1b9: {  	[tilespmem:v61+s13+$0x0] =	vst.idx.msk $0xffff, v56  }
0x1ba: {  	v63 =	vor.u32 $0x501, v0;
	v60 =	vor.u32 $0x2802, v1;
	v56 =	vld.idx.msk [tilespmem:v58+s11+$0x0], $0xffff  }
0x1bb: {  	v58 =	vadd.s32 v60, v55;
	_ =	sdelay $0x3  }
0x1bc: {  	[tilespmem:v63+s13+$0x0] =	vst.idx.msk $0xffff, v56  }
0x1bd: {  	v62 =	vor.u32 $0x2803, v1;
	v61 =	vor.u32 $0x502, v0;
	v56 =	vld.idx.msk [tilespmem:v58+s11+$0x0], $0xffff  }
0x1be: {  	v58 =	vadd.s32 v62, v55;
	_ =	sdelay $0x3  }
0x1bf: {  	[tilespmem:v61+s13+$0x0] =	vst.idx.msk $0xffff, v56  }
0x1c0: {  	v60 =	vor.u32 $0x2804, v1;
	v63 =	vor.u32 $0x503, v0;
	v56 =	vld.idx.msk [tilespmem:v58+s11+$0x0], $0xffff  }
0x1c1: {  	v58 =	vadd.s32 v60, v55;
	_ =	sdelay $0x3  }
0x1c2: {  	[tilespmem:v63+s13+$0x0] =	vst.idx.msk $0xffff, v56  }
0x1c3: {  	v62 =	vor.u32 $0x2805, v1;
	v61 =	vor.u32 $0x504, v0;
	v56 =	vld.idx.msk [tilespmem:v58+s11+$0x0], $0xffff  }
0x1c4: {  	v58 =	vadd.s32 v62, v55;
	_ =	sdelay $0x3  }
0x1c5: {  	[tilespmem:v61+s13+$0x0] =	vst.idx.msk $0xffff, v56  }
0x1c6: {  	v60 =	vor.u32 $0x2806, v1;
	v63 =	vor.u32 $0x505, v0;
	v56 =	vld.idx.msk [tilespmem:v58+s11+$0x0], $0xffff  }
0x1c7: {  	v58 =	vadd.s32 v60, v55;
	_ =	sdelay $0x3  }
0x1c8: {  	[tilespmem:v63+s13+$0x0] =	vst.idx.msk $0xffff, v56  }
0x1c9: {  	v62 =	vor.u32 $0x2807, v1;
	v61 =	vor.u32 $0x506, v0;
	v56 =	vld.idx.msk [tilespmem:v58+s11+$0x0], $0xffff  }
0x1ca: {  	v58 =	vadd.s32 v62, v55;
	_ =	sdelay $0x3  }
0x1cb: {  	[tilespmem:v61+s13+$0x0] =	vst.idx.msk $0xffff, v56  }
0x1cc: {  	v60 =	vor.u32 $0x2808, v1;
	v63 =	vor.u32 $0x507, v0;
	v56 =	vld.idx.msk [tilespmem:v58+s11+$0x0], $0xffff  }
0x1cd: {  	v58 =	vadd.s32 v60, v55;
	_ =	sdelay $0x3  }
0x1ce: {  	[tilespmem:v63+s13+$0x0] =	vst.idx.msk $0xffff, v56  }
0x1cf: {  	v62 =	vor.u32 $0x2809, v1;
	v61 =	vor.u32 $0x508, v0;
	v56 =	vld.idx.msk [tilespmem:v58+s11+$0x0], $0xffff  }
0x1d0: {  	v58 =	vadd.s32 v62, v55;
	_ =	sdelay $0x3  }
0x1d1: {  	[tilespmem:v61+s13+$0x0] =	vst.idx.msk $0xffff, v56  }
0x1d2: {  	v60 =	vor.u32 $0x280A, v1;
	v63 =	vor.u32 $0x509, v0;
	v56 =	vld.idx.msk [tilespmem:v58+s11+$0x0], $0xffff  }
0x1d3: {  	v58 =	vadd.s32 v60, v55;
	_ =	sdelay $0x3  }
0x1d4: {  	[tilespmem:v63+s13+$0x0] =	vst.idx.msk $0xffff, v56  }
0x1d5: {  	v62 =	vor.u32 $0x280B, v1;
	v61 =	vor.u32 $0x50A, v0;
	v56 =	vld.idx.msk [tilespmem:v58+s11+$0x0], $0xffff  }
0x1d6: {  	v58 =	vadd.s32 v62, v55;
	_ =	sdelay $0x3  }
0x1d7: {  	[tilespmem:v61+s13+$0x0] =	vst.idx.msk $0xffff, v56  }
0x1d8: {  	v60 =	vor.u32 $0x280C, v1;
	v63 =	vor.u32 $0x50B, v0;
	v56 =	vld.idx.msk [tilespmem:v58+s11+$0x0], $0xffff  }
0x1d9: {  	v58 =	vadd.s32 v60, v55;
	_ =	sdelay $0x3  }
0x1da: {  	[tilespmem:v63+s13+$0x0] =	vst.idx.msk $0xffff, v56  }
0x1db: {  	v62 =	vor.u32 $0x280D, v1;
	v61 =	vor.u32 $0x50C, v0;
	v56 =	vld.idx.msk [tilespmem:v58+s11+$0x0], $0xffff  }
0x1dc: {  	v58 =	vadd.s32 v62, v55;
	_ =	sdelay $0x3  }
0x1dd: {  	[tilespmem:v61+s13+$0x0] =	vst.idx.msk $0xffff, v56  }
0x1de: {  	v60 =	vor.u32 $0x280E, v1;
	v63 =	vor.u32 $0x50D, v0;
	v56 =	vld.idx.msk [tilespmem:v58+s11+$0x0], $0xffff  }
0x1df: {  	v58 =	vadd.s32 v60, v55;
	_ =	sdelay $0x3  }
0x1e0: {  	[tilespmem:v63+s13+$0x0] =	vst.idx.msk $0xffff, v56  }
0x1e1: {  	v62 =	vor.u32 $0x280F, v1;
	v61 =	vor.u32 $0x50E, v0;
	v56 =	vld.idx.msk [tilespmem:v58+s11+$0x0], $0xffff  }
0x1e2: {  	v55 =	vadd.s32 v62, v55;
	_ =	sdelay $0x3  }
0x1e3: {  	[tilespmem:v61+s13+$0x0] =	vst.idx.msk $0xffff, v56  }
0x1e4: {  	v63 =	vor.u32 $0x50F, v0;
	v55 =	vld.idx.msk [tilespmem:v55+s11+$0x0], $0xffff;
	_ =	sdelay $0x4  }
0x1e5: {  	[tilespmem:v63+s13+$0x0] =	vst.idx.msk $0xffff, v55  }
0x1e6: {  	v55 =	vld [tilespmem:s17+$0x3460];
	_ =	sdelay $0x4  }
0x1e7: {  	v60 =	vor.u32 $0x3000, v1;
	v55 =	vshll.u32 v55, $0x4  }
0x1e8: {  	v56 =	vadd.s32 v60, v55;
	_ =	sdelay $0x4  }
0x1e9: {  	v62 =	vor.u32 $0x3001, v1;
	v61 =	vor.u32 $0x600, v0;
	v56 =	vld.idx.msk [tilespmem:v56+s11+$0x0], $0xffff  }
0x1ea: {  	v58 =	vadd.s32 v62, v55;
	_ =	sdelay $0x3  }
0x1eb: {  	[tilespmem:v61+s13+$0x0] =	vst.idx.msk $0xffff, v56  }
0x1ec: {  	v63 =	vor.u32 $0x601, v0;
	v60 =	vor.u32 $0x3002, v1;
	v56 =	vld.idx.msk [tilespmem:v58+s11+$0x0], $0xffff  }
0x1ed: {  	v58 =	vadd.s32 v60, v55;
	_ =	sdelay $0x3  }
0x1ee: {  	[tilespmem:v63+s13+$0x0] =	vst.idx.msk $0xffff, v56  }
0x1ef: {  	v62 =	vor.u32 $0x3003, v1;
	v61 =	vor.u32 $0x602, v0;
	v56 =	vld.idx.msk [tilespmem:v58+s11+$0x0], $0xffff  }
0x1f0: {  	v58 =	vadd.s32 v62, v55;
	_ =	sdelay $0x3  }
0x1f1: {  	[tilespmem:v61+s13+$0x0] =	vst.idx.msk $0xffff, v56  }
0x1f2: {  	v60 =	vor.u32 $0x3004, v1;
	v63 =	vor.u32 $0x603, v0;
	v56 =	vld.idx.msk [tilespmem:v58+s11+$0x0], $0xffff  }
0x1f3: {  	v58 =	vadd.s32 v60, v55;
	_ =	sdelay $0x3  }
0x1f4: {  	[tilespmem:v63+s13+$0x0] =	vst.idx.msk $0xffff, v56  }
0x1f5: {  	v62 =	vor.u32 $0x3005, v1;
	v61 =	vor.u32 $0x604, v0;
	v56 =	vld.idx.msk [tilespmem:v58+s11+$0x0], $0xffff  }
0x1f6: {  	v58 =	vadd.s32 v62, v55;
	_ =	sdelay $0x3  }
0x1f7: {  	[tilespmem:v61+s13+$0x0] =	vst.idx.msk $0xffff, v56  }
0x1f8: {  	v60 =	vor.u32 $0x3006, v1;
	v63 =	vor.u32 $0x605, v0;
	v56 =	vld.idx.msk [tilespmem:v58+s11+$0x0], $0xffff  }
0x1f9: {  	v58 =	vadd.s32 v60, v55;
	_ =	sdelay $0x3  }
0x1fa: {  	[tilespmem:v63+s13+$0x0] =	vst.idx.msk $0xffff, v56  }
0x1fb: {  	v62 =	vor.u32 $0x3007, v1;
	v61 =	vor.u32 $0x606, v0;
	v56 =	vld.idx.msk [tilespmem:v58+s11+$0x0], $0xffff  }
0x1fc: {  	v58 =	vadd.s32 v62, v55;
	_ =	sdelay $0x3  }
0x1fd: {  	[tilespmem:v61+s13+$0x0] =	vst.idx.msk $0xffff, v56  }
0x1fe: {  	v60 =	vor.u32 $0x3008, v1;
	v63 =	vor.u32 $0x607, v0;
	v56 =	vld.idx.msk [tilespmem:v58+s11+$0x0], $0xffff  }
0x1ff: {  	v58 =	vadd.s32 v60, v55;
	_ =	sdelay $0x3  }
0x200: {  	[tilespmem:v63+s13+$0x0] =	vst.idx.msk $0xffff, v56  }
0x201: {  	v62 =	vor.u32 $0x3009, v1;
	v61 =	vor.u32 $0x608, v0;
	v56 =	vld.idx.msk [tilespmem:v58+s11+$0x0], $0xffff  }
0x202: {  	v58 =	vadd.s32 v62, v55;
	_ =	sdelay $0x3  }
0x203: {  	[tilespmem:v61+s13+$0x0] =	vst.idx.msk $0xffff, v56  }
0x204: {  	v60 =	vor.u32 $0x300A, v1;
	v63 =	vor.u32 $0x609, v0;
	v56 =	vld.idx.msk [tilespmem:v58+s11+$0x0], $0xffff  }
0x205: {  	v58 =	vadd.s32 v60, v55;
	_ =	sdelay $0x3  }
0x206: {  	[tilespmem:v63+s13+$0x0] =	vst.idx.msk $0xffff, v56  }
0x207: {  	v62 =	vor.u32 $0x300B, v1;
	v61 =	vor.u32 $0x60A, v0;
	v56 =	vld.idx.msk [tilespmem:v58+s11+$0x0], $0xffff  }
0x208: {  	v58 =	vadd.s32 v62, v55;
	_ =	sdelay $0x3  }
0x209: {  	[tilespmem:v61+s13+$0x0] =	vst.idx.msk $0xffff, v56  }
0x20a: {  	v60 =	vor.u32 $0x300C, v1;
	v63 =	vor.u32 $0x60B, v0;
	v56 =	vld.idx.msk [tilespmem:v58+s11+$0x0], $0xffff  }
0x20b: {  	v58 =	vadd.s32 v60, v55;
	_ =	sdelay $0x3  }
0x20c: {  	[tilespmem:v63+s13+$0x0] =	vst.idx.msk $0xffff, v56  }
0x20d: {  	v62 =	vor.u32 $0x300D, v1;
	v61 =	vor.u32 $0x60C, v0;
	v56 =	vld.idx.msk [tilespmem:v58+s11+$0x0], $0xffff  }
0x20e: {  	v58 =	vadd.s32 v62, v55;
	_ =	sdelay $0x3  }
0x20f: {  	[tilespmem:v61+s13+$0x0] =	vst.idx.msk $0xffff, v56  }
0x210: {  	v60 =	vor.u32 $0x300E, v1;
	v63 =	vor.u32 $0x60D, v0;
	v56 =	vld.idx.msk [tilespmem:v58+s11+$0x0], $0xffff  }
0x211: {  	v58 =	vadd.s32 v60, v55;
	_ =	sdelay $0x3  }
0x212: {  	[tilespmem:v63+s13+$0x0] =	vst.idx.msk $0xffff, v56  }
0x213: {  	v62 =	vor.u32 $0x300F, v1;
	v61 =	vor.u32 $0x60E, v0;
	v56 =	vld.idx.msk [tilespmem:v58+s11+$0x0], $0xffff  }
0x214: {  	v55 =	vadd.s32 v62, v55;
	_ =	sdelay $0x3  }
0x215: {  	[tilespmem:v61+s13+$0x0] =	vst.idx.msk $0xffff, v56  }
0x216: {  	v63 =	vor.u32 $0x60F, v0;
	v55 =	vld.idx.msk [tilespmem:v55+s11+$0x0], $0xffff;
	_ =	sdelay $0x4  }
0x217: {  	[tilespmem:v63+s13+$0x0] =	vst.idx.msk $0xffff, v55  }
0x218: {  	v55 =	vld [tilespmem:s17+$0x3470];
	_ =	sdelay $0x4  }
0x219: {  	v60 =	vor.u32 $0x3800, v1;
	v55 =	vshll.u32 v55, $0x4  }
0x21a: {  	v56 =	vadd.s32 v60, v55;
	_ =	sdelay $0x4  }
0x21b: {  	v62 =	vor.u32 $0x3801, v1;
	v61 =	vor.u32 $0x700, v0;
	v56 =	vld.idx.msk [tilespmem:v56+s11+$0x0], $0xffff  }
0x21c: {  	v58 =	vadd.s32 v62, v55;
	_ =	sdelay $0x3  }
0x21d: {  	[tilespmem:v61+s13+$0x0] =	vst.idx.msk $0xffff, v56  }
0x21e: {  	v63 =	vor.u32 $0x701, v0;
	v60 =	vor.u32 $0x3802, v1;
	v56 =	vld.idx.msk [tilespmem:v58+s11+$0x0], $0xffff  }
0x21f: {  	v58 =	vadd.s32 v60, v55;
	_ =	sdelay $0x3  }
0x220: {  	[tilespmem:v63+s13+$0x0] =	vst.idx.msk $0xffff, v56  }
0x221: {  	v62 =	vor.u32 $0x3803, v1;
	v61 =	vor.u32 $0x702, v0;
	v56 =	vld.idx.msk [tilespmem:v58+s11+$0x0], $0xffff  }
0x222: {  	v58 =	vadd.s32 v62, v55;
	_ =	sdelay $0x3  }
0x223: {  	[tilespmem:v61+s13+$0x0] =	vst.idx.msk $0xffff, v56  }
0x224: {  	v60 =	vor.u32 $0x3804, v1;
	v63 =	vor.u32 $0x703, v0;
	v56 =	vld.idx.msk [tilespmem:v58+s11+$0x0], $0xffff  }
0x225: {  	v58 =	vadd.s32 v60, v55;
	_ =	sdelay $0x3  }
0x226: {  	[tilespmem:v63+s13+$0x0] =	vst.idx.msk $0xffff, v56  }
0x227: {  	v62 =	vor.u32 $0x3805, v1;
	v61 =	vor.u32 $0x704, v0;
	v56 =	vld.idx.msk [tilespmem:v58+s11+$0x0], $0xffff  }
0x228: {  	v58 =	vadd.s32 v62, v55;
	_ =	sdelay $0x3  }
0x229: {  	[tilespmem:v61+s13+$0x0] =	vst.idx.msk $0xffff, v56  }
0x22a: {  	v60 =	vor.u32 $0x3806, v1;
	v63 =	vor.u32 $0x705, v0;
	v56 =	vld.idx.msk [tilespmem:v58+s11+$0x0], $0xffff  }
0x22b: {  	v58 =	vadd.s32 v60, v55;
	_ =	sdelay $0x3  }
0x22c: {  	[tilespmem:v63+s13+$0x0] =	vst.idx.msk $0xffff, v56  }
0x22d: {  	v62 =	vor.u32 $0x3807, v1;
	v61 =	vor.u32 $0x706, v0;
	v56 =	vld.idx.msk [tilespmem:v58+s11+$0x0], $0xffff  }
0x22e: {  	v58 =	vadd.s32 v62, v55;
	_ =	sdelay $0x3  }
0x22f: {  	[tilespmem:v61+s13+$0x0] =	vst.idx.msk $0xffff, v56  }
0x230: {  	v60 =	vor.u32 $0x3808, v1;
	v63 =	vor.u32 $0x707, v0;
	v56 =	vld.idx.msk [tilespmem:v58+s11+$0x0], $0xffff  }
0x231: {  	v58 =	vadd.s32 v60, v55;
	_ =	sdelay $0x3  }
0x232: {  	[tilespmem:v63+s13+$0x0] =	vst.idx.msk $0xffff, v56  }
0x233: {  	v62 =	vor.u32 $0x3809, v1;
	v61 =	vor.u32 $0x708, v0;
	v56 =	vld.idx.msk [tilespmem:v58+s11+$0x0], $0xffff  }
0x234: {  	v58 =	vadd.s32 v62, v55;
	_ =	sdelay $0x3  }
0x235: {  	[tilespmem:v61+s13+$0x0] =	vst.idx.msk $0xffff, v56  }
0x236: {  	v60 =	vor.u32 $0x380A, v1;
	v63 =	vor.u32 $0x709, v0;
	v56 =	vld.idx.msk [tilespmem:v58+s11+$0x0], $0xffff  }
0x237: {  	v58 =	vadd.s32 v60, v55;
	_ =	sdelay $0x3  }
0x238: {  	[tilespmem:v63+s13+$0x0] =	vst.idx.msk $0xffff, v56  }
0x239: {  	v62 =	vor.u32 $0x380B, v1;
	v61 =	vor.u32 $0x70A, v0;
	v56 =	vld.idx.msk [tilespmem:v58+s11+$0x0], $0xffff  }
0x23a: {  	v58 =	vadd.s32 v62, v55;
	_ =	sdelay $0x3  }
0x23b: {  	[tilespmem:v61+s13+$0x0] =	vst.idx.msk $0xffff, v56  }
0x23c: {  	v60 =	vor.u32 $0x380C, v1;
	v63 =	vor.u32 $0x70B, v0;
	v56 =	vld.idx.msk [tilespmem:v58+s11+$0x0], $0xffff  }
0x23d: {  	v58 =	vadd.s32 v60, v55;
	_ =	sdelay $0x3  }
0x23e: {  	[tilespmem:v63+s13+$0x0] =	vst.idx.msk $0xffff, v56  }
0x23f: {  	v62 =	vor.u32 $0x380D, v1;
	v61 =	vor.u32 $0x70C, v0;
	v56 =	vld.idx.msk [tilespmem:v58+s11+$0x0], $0xffff  }
0x240: {  	v58 =	vadd.s32 v62, v55;
	_ =	sdelay $0x3  }
0x241: {  	[tilespmem:v61+s13+$0x0] =	vst.idx.msk $0xffff, v56  }
0x242: {  	v60 =	vor.u32 $0x380E, v1;
	v63 =	vor.u32 $0x70D, v0;
	v56 =	vld.idx.msk [tilespmem:v58+s11+$0x0], $0xffff  }
0x243: {  	v58 =	vadd.s32 v60, v55;
	_ =	sdelay $0x3  }
0x244: {  	[tilespmem:v63+s13+$0x0] =	vst.idx.msk $0xffff, v56  }
0x245: {  	v62 =	vor.u32 $0x380F, v1;
	v61 =	vor.u32 $0x70E, v0;
	v56 =	vld.idx.msk [tilespmem:v58+s11+$0x0], $0xffff  }
0x246: {  	v55 =	vadd.s32 v62, v55;
	_ =	sdelay $0x3  }
0x247: {  	[tilespmem:v61+s13+$0x0] =	vst.idx.msk $0xffff, v56  }
0x248: {  	v63 =	vor.u32 $0x70F, v0;
	v55 =	vld.idx.msk [tilespmem:v55+s11+$0x0], $0xffff;
	_ =	sdelay $0x3  }
0x249: {  	p0 =	sne.s32 s15, $0xCE00  }
.Ltmp1:
0x24a: {  	[tilespmem:v63+s13+$0x0] =	vst.idx.msk $0xffff, v55;
	(pc) =	sbr.rel @p0 .LBB2_4-.Ltmp1, $4  }
0x24b: {  	[hbm4b:s16+s2] =	stream.linear.scatter [tilespmem:s13], [sflag:$0x2], $0x800, $0x38;
	[tilespmem:$0xB800] =	vst v63  }
0x24c: {  	_ =	swait.ge [sflag:s8], $0x800  }
0x24d: {  	[sflag:s8] =	ssyncset.done $0x0  }
0x24e: {  	s15 =	sadd.s32 $0x200, s15;
	s16 =	sadd.s32 $0x100, s16;
	[sflag:s8] =	ssyncadd.s32 $0xFFFFF800  }
0x24f: {  	s14 =	sadd.s32 $0x1, s14  }
0x250: {  	p0 =	sne.s32 s14, s6  }
.Ltmp2:
0x251: {  	_ = 	snop;
	(pc) =	sbr.rel @p0 .LBB2_1-.Ltmp2, $1  }
0x252: {  	_ =	sdelay $0x3  }
0x253: {  	_ =	sfence.sel $0x180000  }
0x254: {  	[bflag:$0x0] =	sbarrier.arrive $0xFFFF  }
0x255: {  	p0 =	sne.s32 s1, $0x0;
	_ =	strace $0x90000047  }
0x256: {  	s0 =	sadd.s32 @!p0 $0x100000, s0;
	[bflag:$0x2] =	sbarrier.arrive $0xFFFF  }
0x257: {  	[sflag:s0] =	ssyncadd.tile.s32 @!p0 $0x1;
	_ =	shalt  }
.Lfunc_end2:
_tile_overlayer_lowered:
.L_overlay_start_2:
0x258: {  	(tag) =	ssettag $0x2  }
0x259: {  	s0 =	rddreg [dreg:$0x0];
	s2 =	stileid.u32  }
0x25a: {  	s1 =	rddreg [dreg:$0x1];
	p0 =	sne.s32 s2, $0x0  }
0x25b: {  	s3 =	rddreg [dreg:$0x2];
	[bflag:$0x3] =	sbarrier.arrive $0xFFFF;
	s2 =	simm.s32 @!p0 $0x1C02  }
0x25c: {  	[timem:s3], [sflag:s2] =	dma.local @!p0 [hbm:s0], s1  }
0x25d: {  	s0 =	simm.s32 @!p0 $0x2  }
0x25e: {  	_ =	swait.ge @!p0 [sflag:s0], s1  }
0x25f: {  	s1 =	ssub.s32 @!p0 $0x0, s1;
	[sflag:s0] =	ssyncset.done @!p0 $0x0  }
0x260: {  	[sflag:s0] =	ssyncadd.s32 @!p0 s1  }
0x261: {  	[bflag:$0x3] =	sbarrier.arrive $0xFFFF  }
0x262: {  	_ =	shalt  }

</sc_bundles>
